<compile_context>
chip_gen: v7x
topology: tpu7x:2x2x1
jax: 0.10.2.dev20260603
libtpu: 0.0.44.dev20260713+nightly
codegen_flags: <defaults>
</compile_context>

<pallas_src>
import functools

import jax
import jax.numpy as jnp
from jax import lax
from jax.experimental import pallas as pl
from jax.experimental.pallas import tpu as pltpu
from jax.experimental.pallas import tpu_sc as plsc

N = 10000
E = 320000
DIN = 128
H1 = 4
C1 = 32
D1 = H1 * C1
EXT1 = 144
EXT2 = 16
AD = 16

NC = 2
NS = 16
NW = NC * NS
EPT = E // NW
K = 80
NBLK = EPT // K
RPT = 624
RTAIL = N - NS * RPT
RCH = 78

BN = 400
GRID = N // BN



def _prep1_body(x_ref, w_ref, atts_ref, attd_ref, ext_ref, ad_ref):
    xw = jnp.dot(x_ref[...], w_ref[...], preferred_element_type=jnp.float32)
    ext_ref[:, 0:D1] = xw
    ext_ref[:, D1:D1 + H1] = jnp.ones((BN, H1), jnp.float32)
    ext_ref[:, D1 + 2 * H1:EXT1] = jnp.zeros((BN, EXT1 - D1 - 2 * H1), jnp.float32)
    ps = xw * atts_ref[...]
    pd = xw * attd_ref[...]
    ad_ref[:, 0:H1] = jnp.zeros((BN, H1), jnp.float32)
    ad_ref[:, 2 * H1:AD] = jnp.zeros((BN, AD - 2 * H1), jnp.float32)
    for h in range(H1):
        ext_ref[:, D1 + H1 + h:D1 + H1 + h + 1] = jnp.sum(
            ps[:, C1 * h:C1 * (h + 1)], axis=1, keepdims=True)
        ad_ref[:, H1 + h:H1 + h + 1] = jnp.sum(
            pd[:, C1 * h:C1 * (h + 1)], axis=1, keepdims=True)


def _prep1(x, W1, atts, attd):
    return pl.pallas_call(
        _prep1_body,
        grid=(GRID,),
        in_specs=[
            pl.BlockSpec((BN, DIN), lambda i: (i, 0)),
            pl.BlockSpec((DIN, D1), lambda i: (0, 0)),
            pl.BlockSpec((1, D1), lambda i: (0, 0)),
            pl.BlockSpec((1, D1), lambda i: (0, 0)),
        ],
        out_specs=[
            pl.BlockSpec((BN, EXT1), lambda i: (i, 0)),
            pl.BlockSpec((BN, AD), lambda i: (i, 0)),
        ],
        out_shape=[
            jax.ShapeDtypeStruct((N, EXT1), jnp.float32),
            jax.ShapeDtypeStruct((N, AD), jnp.float32),
        ],
    )(x, W1, atts, attd)


def _fin1_body(accA, accB, ext1, a1d, b1, w2, att2s, att2d, ext2_ref, a2d_ref):
    al = ext1[:, D1 + H1:D1 + 2 * H1] + a1d[:, H1:2 * H1]
    fs = jnp.exp(jnp.where(al > 0, al, 0.2 * al))
    xw1 = ext1[:, 0:D1]
    frep = jnp.concatenate(
        [jnp.broadcast_to(fs[:, h:h + 1], (BN, C1)) for h in range(H1)], axis=1)
    num = accA[:, 0:D1] + accB[:, 0:D1] + frep * xw1
    den = accA[:, D1:D1 + H1] + accB[:, D1:D1 + H1] + fs
    denrep = jnp.concatenate(
        [jnp.broadcast_to(den[:, h:h + 1], (BN, C1)) for h in range(H1)], axis=1)
    hpre = num / denrep + b1[...]
    hact = jnp.where(hpre > 0, hpre, jnp.exp(hpre) - 1.0)
    xw2 = jnp.dot(hact, w2[...], preferred_element_type=jnp.float32)
    ext2_ref[:, 0:2] = xw2
    ext2_ref[:, 2:3] = jnp.ones((BN, 1), jnp.float32)
    ext2_ref[:, 3:4] = jnp.sum(xw2 * att2s[...], axis=1, keepdims=True)
    ext2_ref[:, 4:EXT2] = jnp.zeros((BN, EXT2 - 4), jnp.float32)
    a2d_ref[:, 0:3] = jnp.zeros((BN, 3), jnp.float32)
    a2d_ref[:, 3:4] = jnp.sum(xw2 * att2d[...], axis=1, keepdims=True)
    a2d_ref[:, 4:AD] = jnp.zeros((BN, AD - 4), jnp.float32)


def _fin1(acc1, ext1, a1d, b1, W2, att2s, att2d):
    return pl.pallas_call(
        _fin1_body,
        grid=(GRID,),
        in_specs=[
            pl.BlockSpec((BN, EXT1), lambda i: (i, 0)),
            pl.BlockSpec((BN, EXT1), lambda i: (i + GRID, 0)),
            pl.BlockSpec((BN, EXT1), lambda i: (i, 0)),
            pl.BlockSpec((BN, AD), lambda i: (i, 0)),
            pl.BlockSpec((1, D1), lambda i: (0, 0)),
            pl.BlockSpec((D1, 2), lambda i: (0, 0)),
            pl.BlockSpec((1, 2), lambda i: (0, 0)),
            pl.BlockSpec((1, 2), lambda i: (0, 0)),
        ],
        out_specs=[
            pl.BlockSpec((BN, EXT2), lambda i: (i, 0)),
            pl.BlockSpec((BN, AD), lambda i: (i, 0)),
        ],
        out_shape=[
            jax.ShapeDtypeStruct((N, EXT2), jnp.float32),
            jax.ShapeDtypeStruct((N, AD), jnp.float32),
        ],
    )(acc1, acc1, ext1, a1d, b1, W2, att2s, att2d)


def _fin2_body(accA, accB, ext2, a2d, b2, out_ref):
    al = ext2[:, 3:4] + a2d[:, 3:4]
    f = jnp.exp(jnp.where(al > 0, al, 0.2 * al))
    num = accA[:, 0:2] + accB[:, 0:2] + f * ext2[:, 0:2]
    den = accA[:, 2:3] + accB[:, 2:3] + f
    o = num / den + b2[...]
    m = jnp.max(o, axis=1, keepdims=True)
    e = jnp.exp(o - m)
    out_ref[...] = (o - m) - jnp.log(jnp.sum(e, axis=1, keepdims=True))


def _fin2(acc2, ext2, a2d, b2):
    return pl.pallas_call(
        _fin2_body,
        grid=(GRID,),
        in_specs=[
            pl.BlockSpec((BN, EXT2), lambda i: (i, 0)),
            pl.BlockSpec((BN, EXT2), lambda i: (i + GRID, 0)),
            pl.BlockSpec((BN, EXT2), lambda i: (i, 0)),
            pl.BlockSpec((BN, AD), lambda i: (i, 0)),
            pl.BlockSpec((1, 2), lambda i: (0, 0)),
        ],
        out_specs=pl.BlockSpec((BN, 2), lambda i: (i, 0)),
        out_shape=jax.ShapeDtypeStruct((N, 2), jnp.float32),
    )(acc2, acc2, ext2, a2d, b2)



@functools.cache
def _sc_mesh():
    return plsc.VectorSubcoreMesh(
        core_axis_name="c", subcore_axis_name="s", num_cores=NC, num_subcores=NS)


def _edge1_body(src_hbm, dst_hbm, ext_hbm, ad_hbm, out_hbm,
                srcv, dstv, rowsv, adv, acc, sem, sem2):
    cid = lax.axis_index("c")
    sid = lax.axis_index("s")
    wid = cid * NS + sid

    def zr(j, c3):
        for c9 in range(EXT1 // 16):
            rowsv[j, pl.ds(c9 * 16, 16)] = jnp.zeros((16,), jnp.float32)
        return c3

    lax.fori_loop(0, K, zr, 0)

    def zc(c, c3):
        pltpu.sync_copy(rowsv.at[pl.ds(0, RCH)], acc.at[pl.ds(sid * RPT + c * RCH, RCH)])
        return c3

    lax.fori_loop(0, RPT // RCH, zc, 0)

    @pl.when(sid == NS - 1)
    def _():
        pltpu.sync_copy(rowsv.at[pl.ds(0, RTAIL)], acc.at[pl.ds(NS * RPT, RTAIL)])

    plsc.subcore_barrier()
    ebase = wid * EPT

    def blk(b, carry):
        base = ebase + b * K
        pltpu.sync_copy(src_hbm.at[pl.ds(base, K)], srcv)
        pltpu.sync_copy(dst_hbm.at[pl.ds(base, K)], dstv)
        cp1 = pltpu.async_copy(ext_hbm.at[srcv], rowsv, sem)
        cp2 = pltpu.async_copy(ad_hbm.at[dstv], adv, sem2)
        cp1.wait()
        cp2.wait()

        def edg(j, c2):
            srow = rowsv[j, pl.ds(D1, 16)]
            drow = adv[j, pl.ds(0, 16)]
            al = srow + drow
            al = jnp.where(al > 0, al, 0.2 * al)
            fj = jnp.exp(al)
            f0 = fj[4]
            f1 = fj[5]
            f2 = fj[6]
            f3 = fj[7]
            fscal = (f0, f0, f1, f1, f2, f2, f3, f3)
            for c in range(8):
                rowsv[j, pl.ds(c * 16, 16)] = rowsv[j, pl.ds(c * 16, 16)] * fscal[c]
            io = lax.iota(jnp.int32, 16)
            w = jnp.where(io == 0, f0,
                          jnp.where(io == 1, f1,
                                    jnp.where(io == 2, f2,
                                              jnp.where(io == 3, f3, 0.0))))
            rowsv[j, pl.ds(D1, 16)] = w
            return c2

        lax.fori_loop(0, K, edg, 0)
        pltpu.sync_copy(rowsv, acc.at[dstv], add=True)
        return carry

    lax.fori_loop(0, NBLK, blk, 0)
    plsc.subcore_barrier()

    def co(c, c3):
        pltpu.sync_copy(acc.at[pl.ds(sid * RPT + c * RCH, RCH)], rowsv.at[pl.ds(0, RCH)])
        pltpu.sync_copy(rowsv.at[pl.ds(0, RCH)],
                        out_hbm.at[pl.ds(cid * N + sid * RPT + c * RCH, RCH)])
        return c3

    lax.fori_loop(0, RPT // RCH, co, 0)

    @pl.when(sid == NS - 1)
    def _():
        pltpu.sync_copy(acc.at[pl.ds(NS * RPT, RTAIL)], rowsv.at[pl.ds(0, RTAIL)])
        pltpu.sync_copy(rowsv.at[pl.ds(0, RTAIL)],
                        out_hbm.at[pl.ds(cid * N + NS * RPT, RTAIL)])


def _edge_pass1(src, dst, ext1, a1d):
    fn = pl.kernel(
        _edge1_body,
        out_type=jax.ShapeDtypeStruct((2 * N, EXT1), jnp.float32),
        mesh=_sc_mesh(),
        compiler_params=pltpu.CompilerParams(use_tc_tiling_on_sc=False),
        scratch_types=[
            pltpu.VMEM((K,), jnp.int32),
            pltpu.VMEM((K,), jnp.int32),
            pltpu.VMEM((K, EXT1), jnp.float32),
            pltpu.VMEM((K, AD), jnp.float32),
            pltpu.VMEM_SHARED((N, EXT1), jnp.float32),
            pltpu.SemaphoreType.DMA,
            pltpu.SemaphoreType.DMA,
        ],
    )
    return fn(src, dst, ext1, a1d)


def _edge2_body(src_hbm, dst_hbm, ext_hbm, ad_hbm, out_hbm,
                srcv, dstv, rowsv, adv, acc, sem, sem2):
    cid = lax.axis_index("c")
    sid = lax.axis_index("s")
    wid = cid * NS + sid

    def zr(j, c3):
        for c9 in range(EXT2 // 16):
            rowsv[j, pl.ds(c9 * 16, 16)] = jnp.zeros((16,), jnp.float32)
        return c3

    lax.fori_loop(0, K, zr, 0)

    def zc(c, c3):
        pltpu.sync_copy(rowsv.at[pl.ds(0, RCH)], acc.at[pl.ds(sid * RPT + c * RCH, RCH)])
        return c3

    lax.fori_loop(0, RPT // RCH, zc, 0)

    @pl.when(sid == NS - 1)
    def _():
        pltpu.sync_copy(rowsv.at[pl.ds(0, RTAIL)], acc.at[pl.ds(NS * RPT, RTAIL)])

    plsc.subcore_barrier()
    ebase = wid * EPT

    def blk(b, carry):
        base = ebase + b * K
        pltpu.sync_copy(src_hbm.at[pl.ds(base, K)], srcv)
        pltpu.sync_copy(dst_hbm.at[pl.ds(base, K)], dstv)
        cp1 = pltpu.async_copy(ext_hbm.at[srcv], rowsv, sem)
        cp2 = pltpu.async_copy(ad_hbm.at[dstv], adv, sem2)
        cp1.wait()
        cp2.wait()

        def edg(j, c2):
            srow = rowsv[j, pl.ds(0, 16)]
            drow = adv[j, pl.ds(0, 16)]
            al = srow + drow
            al = jnp.where(al > 0, al, 0.2 * al)
            fj = jnp.exp(al)
            f0 = fj[3]
            io = lax.iota(jnp.int32, 16)
            w = jnp.where(io < 3, f0, 0.0)
            rowsv[j, pl.ds(0, 16)] = srow * w
            return c2

        lax.fori_loop(0, K, edg, 0)
        pltpu.sync_copy(rowsv, acc.at[dstv], add=True)
        return carry

    lax.fori_loop(0, NBLK, blk, 0)
    plsc.subcore_barrier()

    def co(c, c3):
        pltpu.sync_copy(acc.at[pl.ds(sid * RPT + c * RCH, RCH)], rowsv.at[pl.ds(0, RCH)])
        pltpu.sync_copy(rowsv.at[pl.ds(0, RCH)],
                        out_hbm.at[pl.ds(cid * N + sid * RPT + c * RCH, RCH)])
        return c3

    lax.fori_loop(0, RPT // RCH, co, 0)

    @pl.when(sid == NS - 1)
    def _():
        pltpu.sync_copy(acc.at[pl.ds(NS * RPT, RTAIL)], rowsv.at[pl.ds(0, RTAIL)])
        pltpu.sync_copy(rowsv.at[pl.ds(0, RTAIL)],
                        out_hbm.at[pl.ds(cid * N + NS * RPT, RTAIL)])


def _edge_pass2(src, dst, ext2, a2d):
    fn = pl.kernel(
        _edge2_body,
        out_type=jax.ShapeDtypeStruct((2 * N, EXT2), jnp.float32),
        mesh=_sc_mesh(),
        compiler_params=pltpu.CompilerParams(use_tc_tiling_on_sc=False),
        scratch_types=[
            pltpu.VMEM((K,), jnp.int32),
            pltpu.VMEM((K,), jnp.int32),
            pltpu.VMEM((K, EXT2), jnp.float32),
            pltpu.VMEM((K, AD), jnp.float32),
            pltpu.VMEM_SHARED((N, EXT2), jnp.float32),
            pltpu.SemaphoreType.DMA,
            pltpu.SemaphoreType.DMA,
        ],
    )
    return fn(src, dst, ext2, a2d)



def kernel(x, edge_index, W1, att_src1, att_dst1, bias1, W2, att_src2, att_dst2, bias2):
    src = edge_index[0].astype(jnp.int32)
    dst = edge_index[1].astype(jnp.int32)
    atts = att_src1.reshape(1, D1)
    attd = att_dst1.reshape(1, D1)
    att2s = att_src2.reshape(1, 2)
    att2d = att_dst2.reshape(1, 2)
    b1 = bias1.reshape(1, D1)
    b2 = bias2.reshape(1, 2)
    ext1, a1d = _prep1(x, W1, atts, attd)
    acc1 = _edge_pass1(src, dst, ext1, a1d)
    ext2, a2d = _fin1(acc1, ext1, a1d, b1, W2, att2s, att2d)
    acc2 = _edge_pass2(src, dst, ext2, a2d)
    return _fin2(acc2, ext2, a2d, b2)

# --- scband reference (transcript-rebuilt; emitter-appended) ---
"""Pipeline reference for scband-gat-16733192585727 (READ-ONLY COPY).

The authoritative reference and input builder live on the scoring server;
editing this copy changes nothing except your own understanding.
"""

import jax, jax.numpy as jnp
import numpy as np

N_NODES = 10000
N_EDGES = 320000
IN_DIM = 128
OUT_DIM = 32
HEADS = 4


def gat_conv(x, edge_index, W, att_src, att_dst, bias, heads, out_ch, concat):
    N = x.shape[0]
    src = edge_index[0]
    dst = edge_index[1]
    xw = (x @ W).reshape(N, heads, out_ch)
    a_src = jnp.sum(xw * att_src, axis=-1)  # [N, H]
    a_dst = jnp.sum(xw * att_dst, axis=-1)  # [N, H]
    alpha = a_src[src] + a_dst[dst]         # [E, H]
    alpha = jax.nn.leaky_relu(alpha, negative_slope=0.2)
    amax = jax.ops.segment_max(alpha, dst, num_segments=N)
    alpha = jnp.exp(alpha - amax[dst])
    denom = jax.ops.segment_sum(alpha, dst, num_segments=N)
    alpha = alpha / (denom[dst] + 1e-16)
    msg = xw[src] * alpha[:, :, None]       # [E, H, C]
    out = jax.ops.segment_sum(msg, dst, num_segments=N)  # [N, H, C]
    if concat:
        out = out.reshape(N, heads * out_ch)
    else:
        out = out.mean(axis=1)
    return out + bias


def add_self_loops(edge_index, num_nodes):
    ar = jnp.arange(num_nodes, dtype=edge_index.dtype)
    loops = jnp.stack([ar, ar], axis=0)
    return jnp.concatenate([edge_index, loops], axis=1)


def setup_inputs(seed: int = 0) -> dict:
    key = jax.random.key(seed)
    ks = jax.random.split(key, 12)
    x = jax.random.normal(ks[0], (N_NODES, IN_DIM), dtype=jnp.float32)
    edge_index = jax.random.randint(ks[1], (2, N_EDGES), 0, N_NODES, dtype=jnp.int64) if jax.config.jax_enable_x64 else jax.random.randint(ks[1], (2, N_EDGES), 0, N_NODES).astype(jnp.int32)
    W1 = jax.random.normal(ks[2], (IN_DIM, HEADS * OUT_DIM), dtype=jnp.float32) * 0.1
    att_src1 = jax.random.normal(ks[3], (1, HEADS, OUT_DIM), dtype=jnp.float32) * 0.1
    att_dst1 = jax.random.normal(ks[4], (1, HEADS, OUT_DIM), dtype=jnp.float32) * 0.1
    bias1 = jnp.zeros((HEADS * OUT_DIM,), dtype=jnp.float32)
    W2 = jax.random.normal(ks[5], (HEADS * OUT_DIM, 1 * 2), dtype=jnp.float32) * 0.1
    att_src2 = jax.random.normal(ks[6], (1, 1, 2), dtype=jnp.float32) * 0.1
    att_dst2 = jax.random.normal(ks[7], (1, 1, 2), dtype=jnp.float32) * 0.1
    bias2 = jnp.zeros((2,), dtype=jnp.float32)
    return {"x": x, "edge_index": edge_index, "W1": W1, "att_src1": att_src1, "att_dst1": att_dst1, "bias1": bias1, "W2": W2, "att_src2": att_src2, "att_dst2": att_dst2, "bias2": bias2}


def reference(x, edge_index, W1, att_src1, att_dst1, bias1, W2, att_src2, att_dst2, bias2):
    # eval mode: dropout is identity
    ei = add_self_loops(edge_index, x.shape[0])
    h = gat_conv(x, ei, W1, att_src1, att_dst1, bias1, HEADS, OUT_DIM, concat=True)
    h = jax.nn.elu(h)
    out = gat_conv(h, ei, W2, att_src2, att_dst2, bias2, 1, 2, concat=False)
    return jax.nn.log_softmax(out, axis=1)

if __name__ == "__main__":
    import jax
    _d = setup_inputs()
    print(jax.jit(kernel)(*tuple(_d.values())))

</pallas_src>

<mosaic_0001>
#map = affine_map<(d0, d1) -> (0)>
#map1 = affine_map<(d0, d1) -> (0, 0)>
module attributes {stable_mosaic.version = 14 : i64} {
  func.func @_edge1_body(%arg0: i32, %arg1: i32, %arg2: memref<320000xi32, #tpu.memory_space<hbm>>, %arg3: memref<320000xi32, #tpu.memory_space<hbm>>, %arg4: memref<10000x144xf32, #tpu.memory_space<hbm>>, %arg5: memref<10000x16xf32, #tpu.memory_space<hbm>>, %arg6: memref<20000x144xf32, #tpu.memory_space<hbm>>, %arg7: memref<80xi32, #tpu.memory_space<vmem>>, %arg8: memref<80xi32, #tpu.memory_space<vmem>>, %arg9: memref<80x144xf32, #tpu.memory_space<vmem>>, %arg10: memref<80x16xf32, #tpu.memory_space<vmem>>, %arg11: memref<10000x144xf32, #tpu.memory_space<vmem_shared>>, %arg12: memref<!tpu.dma_semaphore, #tpu.memory_space<semaphore_mem>>, %arg13: memref<!tpu.dma_semaphore, #tpu.memory_space<semaphore_mem>>) attributes {dimension_semantics = [#tpu.dimension_semantics<core_parallel>, #tpu.dimension_semantics<subcore_parallel>], iteration_bounds = array<i64: 2, 16>, scalar_prefetch = 0 : i64, scratch_operands = 7 : i64, tpu.core_type = #tpu.core_type<sc_vector_subcore>, window_params = [{transform_indices = #map}, {transform_indices = #map}, {transform_indices = #map1}, {transform_indices = #map1}, {transform_indices = #map1}]} {
    %mul3A = arith.constant 16 : i32
    %mul3A_0 = arith.muli %arg0, %mul3A : i32
    %add3A = arith.addi %mul3A_0, %arg1 : i32
    %scan3A = arith.constant 0 : i32
    %scan3A_1 = arith.constant 0 : i32
    %scan3A_2 = arith.constant 80 : i32
    %scan3A_3 = arith.addi %scan3A_1, %scan3A_2 : i32
    %scan3A_4 = arith.constant 1 : i32
    scf.for %scan3A_34 = %scan3A_1 to %scan3A_3 step %scan3A_4  : i32 {
      %broadcast_in_dim3A = arith.constant 0.000000e+00 : f32
      %broadcast_in_dim3A_35 = vector.broadcast %broadcast_in_dim3A : f32 to vector<16xf32>
      %swap3A = arith.index_cast %scan3A_34 : i32 to index
      %swap3A_36 = arith.constant 0 : index
      %swap3A_37 = tpu.vector_load %arg9[%swap3A, %swap3A_36] {strides = array<i32>} : memref<80x144xf32, #tpu.memory_space<vmem>>, vector<1x16xf32>,
      %swap3A_38 = vector.shape_cast %swap3A_37 : vector<1x16xf32> to vector<16xf32>
      %swap3A_39 = vector.shape_cast %broadcast_in_dim3A_35 : vector<16xf32> to vector<1x16xf32>
      tpu.vector_store %arg9[%swap3A, %swap3A_36], %swap3A_39 {strides = array<i32>} : memref<80x144xf32, #tpu.memory_space<vmem>>, vector<1x16xf32>,
      %broadcast_in_dim3A_40 = arith.constant 0.000000e+00 : f32
      %broadcast_in_dim3A_41 = vector.broadcast %broadcast_in_dim3A_40 : f32 to vector<16xf32>
      %swap3A_42 = arith.index_cast %scan3A_34 : i32 to index
      %swap3A_43 = arith.constant 16 : index
      %swap3A_44 = tpu.vector_load %arg9[%swap3A_42, %swap3A_43] {strides = array<i32>} : memref<80x144xf32, #tpu.memory_space<vmem>>, vector<1x16xf32>,
      %swap3A_45 = vector.shape_cast %swap3A_44 : vector<1x16xf32> to vector<16xf32>
      %swap3A_46 = vector.shape_cast %broadcast_in_dim3A_41 : vector<16xf32> to vector<1x16xf32>
      tpu.vector_store %arg9[%swap3A_42, %swap3A_43], %swap3A_46 {strides = array<i32>} : memref<80x144xf32, #tpu.memory_space<vmem>>, vector<1x16xf32>,
      %broadcast_in_dim3A_47 = arith.constant 0.000000e+00 : f32
      %broadcast_in_dim3A_48 = vector.broadcast %broadcast_in_dim3A_47 : f32 to vector<16xf32>
      %swap3A_49 = arith.index_cast %scan3A_34 : i32 to index
      %swap3A_50 = arith.constant 32 : index
      %swap3A_51 = tpu.vector_load %arg9[%swap3A_49, %swap3A_50] {strides = array<i32>} : memref<80x144xf32, #tpu.memory_space<vmem>>, vector<1x16xf32>,
      %swap3A_52 = vector.shape_cast %swap3A_51 : vector<1x16xf32> to vector<16xf32>
      %swap3A_53 = vector.shape_cast %broadcast_in_dim3A_48 : vector<16xf32> to vector<1x16xf32>
      tpu.vector_store %arg9[%swap3A_49, %swap3A_50], %swap3A_53 {strides = array<i32>} : memref<80x144xf32, #tpu.memory_space<vmem>>, vector<1x16xf32>,
      %broadcast_in_dim3A_54 = arith.constant 0.000000e+00 : f32
      %broadcast_in_dim3A_55 = vector.broadcast %broadcast_in_dim3A_54 : f32 to vector<16xf32>
      %swap3A_56 = arith.index_cast %scan3A_34 : i32 to index
      %swap3A_57 = arith.constant 48 : index
      %swap3A_58 = tpu.vector_load %arg9[%swap3A_56, %swap3A_57] {strides = array<i32>} : memref<80x144xf32, #tpu.memory_space<vmem>>, vector<1x16xf32>,
      %swap3A_59 = vector.shape_cast %swap3A_58 : vector<1x16xf32> to vector<16xf32>
      %swap3A_60 = vector.shape_cast %broadcast_in_dim3A_55 : vector<16xf32> to vector<1x16xf32>
      tpu.vector_store %arg9[%swap3A_56, %swap3A_57], %swap3A_60 {strides = array<i32>} : memref<80x144xf32, #tpu.memory_space<vmem>>, vector<1x16xf32>,
      %broadcast_in_dim3A_61 = arith.constant 0.000000e+00 : f32
      %broadcast_in_dim3A_62 = vector.broadcast %broadcast_in_dim3A_61 : f32 to vector<16xf32>
      %swap3A_63 = arith.index_cast %scan3A_34 : i32 to index
      %swap3A_64 = arith.constant 64 : index
      %swap3A_65 = tpu.vector_load %arg9[%swap3A_63, %swap3A_64] {strides = array<i32>} : memref<80x144xf32, #tpu.memory_space<vmem>>, vector<1x16xf32>,
      %swap3A_66 = vector.shape_cast %swap3A_65 : vector<1x16xf32> to vector<16xf32>
      %swap3A_67 = vector.shape_cast %broadcast_in_dim3A_62 : vector<16xf32> to vector<1x16xf32>
      tpu.vector_store %arg9[%swap3A_63, %swap3A_64], %swap3A_67 {strides = array<i32>} : memref<80x144xf32, #tpu.memory_space<vmem>>, vector<1x16xf32>,
      %broadcast_in_dim3A_68 = arith.constant 0.000000e+00 : f32
      %broadcast_in_dim3A_69 = vector.broadcast %broadcast_in_dim3A_68 : f32 to vector<16xf32>
      %swap3A_70 = arith.index_cast %scan3A_34 : i32 to index
      %swap3A_71 = arith.constant 80 : index
      %swap3A_72 = tpu.vector_load %arg9[%swap3A_70, %swap3A_71] {strides = array<i32>} : memref<80x144xf32, #tpu.memory_space<vmem>>, vector<1x16xf32>,
      %swap3A_73 = vector.shape_cast %swap3A_72 : vector<1x16xf32> to vector<16xf32>
      %swap3A_74 = vector.shape_cast %broadcast_in_dim3A_69 : vector<16xf32> to vector<1x16xf32>
      tpu.vector_store %arg9[%swap3A_70, %swap3A_71], %swap3A_74 {strides = array<i32>} : memref<80x144xf32, #tpu.memory_space<vmem>>, vector<1x16xf32>,
      %broadcast_in_dim3A_75 = arith.constant 0.000000e+00 : f32
      %broadcast_in_dim3A_76 = vector.broadcast %broadcast_in_dim3A_75 : f32 to vector<16xf32>
      %swap3A_77 = arith.index_cast %scan3A_34 : i32 to index
      %swap3A_78 = arith.constant 96 : index
      %swap3A_79 = tpu.vector_load %arg9[%swap3A_77, %swap3A_78] {strides = array<i32>} : memref<80x144xf32, #tpu.memory_space<vmem>>, vector<1x16xf32>,
      %swap3A_80 = vector.shape_cast %swap3A_79 : vector<1x16xf32> to vector<16xf32>
      %swap3A_81 = vector.shape_cast %broadcast_in_dim3A_76 : vector<16xf32> to vector<1x16xf32>
      tpu.vector_store %arg9[%swap3A_77, %swap3A_78], %swap3A_81 {strides = array<i32>} : memref<80x144xf32, #tpu.memory_space<vmem>>, vector<1x16xf32>,
      %broadcast_in_dim3A_82 = arith.constant 0.000000e+00 : f32
      %broadcast_in_dim3A_83 = vector.broadcast %broadcast_in_dim3A_82 : f32 to vector<16xf32>
      %swap3A_84 = arith.index_cast %scan3A_34 : i32 to index
      %swap3A_85 = arith.constant 112 : index
      %swap3A_86 = tpu.vector_load %arg9[%swap3A_84, %swap3A_85] {strides = array<i32>} : memref<80x144xf32, #tpu.memory_space<vmem>>, vector<1x16xf32>,
      %swap3A_87 = vector.shape_cast %swap3A_86 : vector<1x16xf32> to vector<16xf32>
      %swap3A_88 = vector.shape_cast %broadcast_in_dim3A_83 : vector<16xf32> to vector<1x16xf32>
      tpu.vector_store %arg9[%swap3A_84, %swap3A_85], %swap3A_88 {strides = array<i32>} : memref<80x144xf32, #tpu.memory_space<vmem>>, vector<1x16xf32>,
      %broadcast_in_dim3A_89 = arith.constant 0.000000e+00 : f32
      %broadcast_in_dim3A_90 = vector.broadcast %broadcast_in_dim3A_89 : f32 to vector<16xf32>
      %swap3A_91 = arith.index_cast %scan3A_34 : i32 to index
      %swap3A_92 = arith.constant 128 : index
      %swap3A_93 = tpu.vector_load %arg9[%swap3A_91, %swap3A_92] {strides = array<i32>} : memref<80x144xf32, #tpu.memory_space<vmem>>, vector<1x16xf32>,
      %swap3A_94 = vector.shape_cast %swap3A_93 : vector<1x16xf32> to vector<16xf32>
      %swap3A_95 = vector.shape_cast %broadcast_in_dim3A_90 : vector<16xf32> to vector<1x16xf32>
      tpu.vector_store %arg9[%swap3A_91, %swap3A_92], %swap3A_95 {strides = array<i32>} : memref<80x144xf32, #tpu.memory_space<vmem>>, vector<1x16xf32>,
    }
    %scan3A_5 = arith.constant 80 : i32
    %scan3A_6 = arith.constant 0 : i32
    %scan3A_7 = arith.constant 0 : i32
    %scan3A_8 = arith.constant 8 : i32
    %scan3A_9 = arith.addi %scan3A_7, %scan3A_8 : i32
    %scan3A_10 = arith.constant 1 : i32
    scf.for %scan3A_34 = %scan3A_7 to %scan3A_9 step %scan3A_10  : i32 {
      %mul3A_35 = arith.constant 624 : i32
      %mul3A_36 = arith.muli %arg1, %mul3A_35 : i32
      %mul3A_37 = arith.constant 78 : i32
      %mul3A_38 = arith.muli %scan3A_34, %mul3A_37 : i32
      %add3A_39 = arith.addi %mul3A_36, %mul3A_38 : i32
      "tpu.region"() ({
        %run_scoped3A = tpu.sem_alloc : memref<!tpu.dma_semaphore, #tpu.memory_space<semaphore_mem>>
        %dma_start3A = arith.constant 0 : i32
        %dma_start3A_40 = arith.constant 0 : i32
        %dma_start3A_41 = tpu.memref_slice %arg9[%dma_start3A, %dma_start3A_40] : memref<80x144xf32, #tpu.memory_space<vmem>> -> memref<78x144xf32, #tpu.memory_space<vmem>>
        %dma_start3A_42 = arith.constant 0 : i32
        %dma_start3A_43 = tpu.memref_slice %arg11[%add3A_39, %dma_start3A_42] : memref<10000x144xf32, #tpu.memory_space<vmem_shared>> -> memref<78x144xf32, #tpu.memory_space<vmem_shared>>
        %dma_start3A_44 = arith.constant 0 : i32
        %dma_start3A_45 = tpu.memref_slice %arg11[%add3A_39, %dma_start3A_44] : memref<10000x144xf32, #tpu.memory_space<vmem_shared>> -> memref<78x144xf32, #tpu.memory_space<vmem_shared>>
        %dma_start3A_46 = arith.constant 0 : i32
        %dma_start3A_47 = arith.constant 0 : i32
        %dma_start3A_48 = tpu.memref_slice %arg9[%dma_start3A_46, %dma_start3A_47] : memref<80x144xf32, #tpu.memory_space<vmem>> -> memref<78x144xf32, #tpu.memory_space<vmem>>
        tpu.enqueue_dma source(%dma_start3A_48 : memref<78x144xf32, #tpu.memory_space<vmem>>) target(%dma_start3A_45 : memref<78x144xf32, #tpu.memory_space<vmem_shared>>) target_semaphore(%run_scoped3A : memref<!tpu.dma_semaphore, #tpu.memory_space<semaphore_mem>>)
        %dma_wait3A = arith.constant 0 : i32
        %dma_wait3A_49 = arith.constant 0 : i32
        %dma_wait3A_50 = tpu.memref_slice %arg9[%dma_wait3A, %dma_wait3A_49] : memref<80x144xf32, #tpu.memory_space<vmem>> -> memref<78x144xf32, #tpu.memory_space<vmem>>
        %dma_wait3A_51 = arith.constant 0 : i32
        %dma_wait3A_52 = tpu.memref_slice %arg11[%add3A_39, %dma_wait3A_51] : memref<10000x144xf32, #tpu.memory_space<vmem_shared>> -> memref<78x144xf32, #tpu.memory_space<vmem_shared>>
        %dma_wait3A_53 = arith.constant 0 : i32
        %dma_wait3A_54 = tpu.memref_slice %arg11[%add3A_39, %dma_wait3A_53] : memref<10000x144xf32, #tpu.memory_space<vmem_shared>> -> memref<78x144xf32, #tpu.memory_space<vmem_shared>>
        %dma_wait3A_55 = arith.constant 0 : i32
        %dma_wait3A_56 = arith.constant 0 : i32
        %dma_wait3A_57 = tpu.memref_slice %arg9[%dma_wait3A_55, %dma_wait3A_56] : memref<80x144xf32, #tpu.memory_space<vmem>> -> memref<78x144xf32, #tpu.memory_space<vmem>>
        tpu.wait_dma2 semaphore(%run_scoped3A : memref<!tpu.dma_semaphore, #tpu.memory_space<semaphore_mem>>) src(%dma_wait3A_57 : memref<78x144xf32, #tpu.memory_space<vmem>>) dst(%dma_wait3A_54 : memref<78x144xf32, #tpu.memory_space<vmem_shared>>)
        tpu.yield
      }) : () -> ()
    }
    %scan3A_11 = arith.constant 8 : i32
    %eq3A = arith.constant 15 : i32
    %eq3A_12 = arith.cmpi eq, %arg1, %eq3A : i32
    %convert_element_type3A = arith.extui %eq3A_12 : i1 to i32
    %cond3A = arith.constant 0 : i32
    %cond3A_13 = arith.cmpi ne, %convert_element_type3A, %cond3A : i32
    scf.if %cond3A_13 {
      "tpu.region"() ({
        %run_scoped3A = tpu.sem_alloc : memref<!tpu.dma_semaphore, #tpu.memory_space<semaphore_mem>>
        %dma_start3A = arith.constant 0 : i32
        %dma_start3A_34 = arith.constant 0 : i32
        %dma_start3A_35 = tpu.memref_slice %arg9[%dma_start3A, %dma_start3A_34] : memref<80x144xf32, #tpu.memory_space<vmem>> -> memref<16x144xf32, #tpu.memory_space<vmem>>
        %dma_start3A_36 = arith.constant 9984 : i32
        %dma_start3A_37 = arith.constant 0 : i32
        %dma_start3A_38 = tpu.memref_slice %arg11[%dma_start3A_36, %dma_start3A_37] : memref<10000x144xf32, #tpu.memory_space<vmem_shared>> -> memref<16x144xf32, #tpu.memory_space<vmem_shared>>
        %dma_start3A_39 = arith.constant 9984 : i32
        %dma_start3A_40 = arith.constant 0 : i32
        %dma_start3A_41 = tpu.memref_slice %arg11[%dma_start3A_39, %dma_start3A_40] : memref<10000x144xf32, #tpu.memory_space<vmem_shared>> -> memref<16x144xf32, #tpu.memory_space<vmem_shared>>
        %dma_start3A_42 = arith.constant 0 : i32
        %dma_start3A_43 = arith.constant 0 : i32
        %dma_start3A_44 = tpu.memref_slice %arg9[%dma_start3A_42, %dma_start3A_43] : memref<80x144xf32, #tpu.memory_space<vmem>> -> memref<16x144xf32, #tpu.memory_space<vmem>>
        tpu.enqueue_dma source(%dma_start3A_44 : memref<16x144xf32, #tpu.memory_space<vmem>>) target(%dma_start3A_41 : memref<16x144xf32, #tpu.memory_space<vmem_shared>>) target_semaphore(%run_scoped3A : memref<!tpu.dma_semaphore, #tpu.memory_space<semaphore_mem>>)
        %dma_wait3A = arith.constant 0 : i32
        %dma_wait3A_45 = arith.constant 0 : i32
        %dma_wait3A_46 = tpu.memref_slice %arg9[%dma_wait3A, %dma_wait3A_45] : memref<80x144xf32, #tpu.memory_space<vmem>> -> memref<16x144xf32, #tpu.memory_space<vmem>>
        %dma_wait3A_47 = arith.constant 9984 : i32
        %dma_wait3A_48 = arith.constant 0 : i32
        %dma_wait3A_49 = tpu.memref_slice %arg11[%dma_wait3A_47, %dma_wait3A_48] : memref<10000x144xf32, #tpu.memory_space<vmem_shared>> -> memref<16x144xf32, #tpu.memory_space<vmem_shared>>
        %dma_wait3A_50 = arith.constant 9984 : i32
        %dma_wait3A_51 = arith.constant 0 : i32
        %dma_wait3A_52 = tpu.memref_slice %arg11[%dma_wait3A_50, %dma_wait3A_51] : memref<10000x144xf32, #tpu.memory_space<vmem_shared>> -> memref<16x144xf32, #tpu.memory_space<vmem_shared>>
        %dma_wait3A_53 = arith.constant 0 : i32
        %dma_wait3A_54 = arith.constant 0 : i32
        %dma_wait3A_55 = tpu.memref_slice %arg9[%dma_wait3A_53, %dma_wait3A_54] : memref<80x144xf32, #tpu.memory_space<vmem>> -> memref<16x144xf32, #tpu.memory_space<vmem>>
        tpu.wait_dma2 semaphore(%run_scoped3A : memref<!tpu.dma_semaphore, #tpu.memory_space<semaphore_mem>>) src(%dma_wait3A_55 : memref<16x144xf32, #tpu.memory_space<vmem>>) dst(%dma_wait3A_52 : memref<16x144xf32, #tpu.memory_space<vmem_shared>>)
        tpu.yield
      }) : () -> ()
    } else {
    }
    %barrier3A = arith.constant 0 : index
    tpu.barrier barrier_id(%barrier3A)
    %mul3A_14 = arith.constant 10000 : i32
    %mul3A_15 = arith.muli %add3A, %mul3A_14 : i32
    %scan3A_16 = arith.constant 0 : i32
    %scan3A_17 = arith.constant 0 : i32
    %scan3A_18 = arith.constant 125 : i32
    %scan3A_19 = arith.addi %scan3A_17, %scan3A_18 : i32
    %scan3A_20 = arith.constant 1 : i32
    scf.for %scan3A_34 = %scan3A_17 to %scan3A_19 step %scan3A_20  : i32 {
      %mul3A_35 = arith.constant 80 : i32
      %mul3A_36 = arith.muli %scan3A_34, %mul3A_35 : i32
      %add3A_37 = arith.addi %mul3A_15, %mul3A_36 : i32
      "tpu.region"() ({
        %run_scoped3A = tpu.sem_alloc : memref<!tpu.dma_semaphore, #tpu.memory_space<semaphore_mem>>
        %dma_start3A_54 = tpu.memref_slice %arg2[%add3A_37] : memref<320000xi32, #tpu.memory_space<hbm>> -> memref<80xi32, #tpu.memory_space<hbm>>
        %dma_start3A_55 = tpu.memref_slice %arg2[%add3A_37] : memref<320000xi32, #tpu.memory_space<hbm>> -> memref<80xi32, #tpu.memory_space<hbm>>
        tpu.enqueue_dma source(%dma_start3A_55 : memref<80xi32, #tpu.memory_space<hbm>>) target(%arg7 : memref<80xi32, #tpu.memory_space<vmem>>) target_semaphore(%run_scoped3A : memref<!tpu.dma_semaphore, #tpu.memory_space<semaphore_mem>>)
        %dma_wait3A_56 = tpu.memref_slice %arg2[%add3A_37] : memref<320000xi32, #tpu.memory_space<hbm>> -> memref<80xi32, #tpu.memory_space<hbm>>
        %dma_wait3A_57 = tpu.memref_slice %arg2[%add3A_37] : memref<320000xi32, #tpu.memory_space<hbm>> -> memref<80xi32, #tpu.memory_space<hbm>>
        tpu.wait_dma2 semaphore(%run_scoped3A : memref<!tpu.dma_semaphore, #tpu.memory_space<semaphore_mem>>) src(%dma_wait3A_57 : memref<80xi32, #tpu.memory_space<hbm>>) dst(%arg7 : memref<80xi32, #tpu.memory_space<vmem>>)
        tpu.yield
      }) : () -> ()
      "tpu.region"() ({
        %run_scoped3A = tpu.sem_alloc : memref<!tpu.dma_semaphore, #tpu.memory_space<semaphore_mem>>
        %dma_start3A_54 = tpu.memref_slice %arg3[%add3A_37] : memref<320000xi32, #tpu.memory_space<hbm>> -> memref<80xi32, #tpu.memory_space<hbm>>
        %dma_start3A_55 = tpu.memref_slice %arg3[%add3A_37] : memref<320000xi32, #tpu.memory_space<hbm>> -> memref<80xi32, #tpu.memory_space<hbm>>
        tpu.enqueue_dma source(%dma_start3A_55 : memref<80xi32, #tpu.memory_space<hbm>>) target(%arg8 : memref<80xi32, #tpu.memory_space<vmem>>) target_semaphore(%run_scoped3A : memref<!tpu.dma_semaphore, #tpu.memory_space<semaphore_mem>>)
        %dma_wait3A_56 = tpu.memref_slice %arg3[%add3A_37] : memref<320000xi32, #tpu.memory_space<hbm>> -> memref<80xi32, #tpu.memory_space<hbm>>
        %dma_wait3A_57 = tpu.memref_slice %arg3[%add3A_37] : memref<320000xi32, #tpu.memory_space<hbm>> -> memref<80xi32, #tpu.memory_space<hbm>>
        tpu.wait_dma2 semaphore(%run_scoped3A : memref<!tpu.dma_semaphore, #tpu.memory_space<semaphore_mem>>) src(%dma_wait3A_57 : memref<80xi32, #tpu.memory_space<hbm>>) dst(%arg8 : memref<80xi32, #tpu.memory_space<vmem>>)
        tpu.yield
      }) : () -> ()
      %dma_start3A = arith.constant 0 : i32
      %dma_start3A_38 = arith.constant 0 : i32
      %dma_start3A_39 = tpu.memref_slice %arg4[%dma_start3A, %dma_start3A_38] : memref<10000x144xf32, #tpu.memory_space<hbm>> -> memref<10000x144xf32, #tpu.memory_space<hbm>>
      tpu.enqueue_indirect_dma source(%dma_start3A_39 : memref<10000x144xf32, #tpu.memory_space<hbm>>) target(%arg9 : memref<80x144xf32, #tpu.memory_space<vmem>>) offsets(%arg7 : memref<80xi32, #tpu.memory_space<vmem>>) semaphore(%arg12 : memref<!tpu.dma_semaphore, #tpu.memory_space<semaphore_mem>>)
      %dma_start3A_40 = arith.constant 0 : i32
      %dma_start3A_41 = arith.constant 0 : i32
      %dma_start3A_42 = tpu.memref_slice %arg5[%dma_start3A_40, %dma_start3A_41] : memref<10000x16xf32, #tpu.memory_space<hbm>> -> memref<10000x16xf32, #tpu.memory_space<hbm>>
      tpu.enqueue_indirect_dma source(%dma_start3A_42 : memref<10000x16xf32, #tpu.memory_space<hbm>>) target(%arg10 : memref<80x16xf32, #tpu.memory_space<vmem>>) offsets(%arg8 : memref<80xi32, #tpu.memory_space<vmem>>) semaphore(%arg13 : memref<!tpu.dma_semaphore, #tpu.memory_space<semaphore_mem>>)
      %dma_wait3A = arith.constant 0 : i32
      %dma_wait3A_43 = arith.constant 0 : i32
      %dma_wait3A_44 = tpu.memref_slice %arg4[%dma_wait3A, %dma_wait3A_43] : memref<10000x144xf32, #tpu.memory_space<hbm>> -> memref<10000x144xf32, #tpu.memory_space<hbm>>
      tpu.wait_indirect_dma semaphore(%arg12 : memref<!tpu.dma_semaphore, #tpu.memory_space<semaphore_mem>>) src(%dma_wait3A_44 : memref<10000x144xf32, #tpu.memory_space<hbm>>) dst(%arg9 : memref<80x144xf32, #tpu.memory_space<vmem>>)
      %dma_wait3A_45 = arith.constant 0 : i32
      %dma_wait3A_46 = arith.constant 0 : i32
      %dma_wait3A_47 = tpu.memref_slice %arg5[%dma_wait3A_45, %dma_wait3A_46] : memref<10000x16xf32, #tpu.memory_space<hbm>> -> memref<10000x16xf32, #tpu.memory_space<hbm>>
      tpu.wait_indirect_dma semaphore(%arg13 : memref<!tpu.dma_semaphore, #tpu.memory_space<semaphore_mem>>) src(%dma_wait3A_47 : memref<10000x16xf32, #tpu.memory_space<hbm>>) dst(%arg10 : memref<80x16xf32, #tpu.memory_space<vmem>>)
      %scan3A_48 = arith.constant 0 : i32
      %scan3A_49 = arith.constant 0 : i32
      %scan3A_50 = arith.constant 80 : i32
      %scan3A_51 = arith.addi %scan3A_49, %scan3A_50 : i32
      %scan3A_52 = arith.constant 1 : i32
      scf.for %scan3A_54 = %scan3A_49 to %scan3A_51 step %scan3A_52  : i32 {
        %get3A = arith.index_cast %scan3A_54 : i32 to index
        %get3A_55 = arith.constant 128 : index
        %get3A_56 = tpu.vector_load %arg9[%get3A, %get3A_55] {strides = array<i32>} : memref<80x144xf32, #tpu.memory_space<vmem>>, vector<1x16xf32>,
        %get3A_57 = vector.shape_cast %get3A_56 : vector<1x16xf32> to vector<16xf32>
        %get3A_58 = arith.index_cast %scan3A_54 : i32 to index
        %get3A_59 = arith.constant 0 : index
        %get3A_60 = tpu.vector_load %arg10[%get3A_58, %get3A_59] {strides = array<i32>} : memref<80x16xf32, #tpu.memory_space<vmem>>, vector<1x16xf32>,
        %get3A_61 = vector.shape_cast %get3A_60 : vector<1x16xf32> to vector<16xf32>
        %add3A_62 = arith.addf %get3A_57, %get3A_61 : vector<16xf32>
        %gt3A = arith.constant 0.000000e+00 : f32
        %gt3A_63 = vector.broadcast %gt3A : f32 to vector<16xf32>
        %gt3A_64 = arith.cmpf ogt, %add3A_62, %gt3A_63 : vector<16xf32>
        %mul3A_65 = arith.constant 2.000000e-01 : f32
        %mul3A_66 = vector.broadcast %mul3A_65 : f32 to vector<16xf32>
        %mul3A_67 = arith.mulf %mul3A_66, %add3A_62 : vector<16xf32>
        %select_n3A = arith.select %gt3A_64, %add3A_62, %mul3A_67 : vector<16xi1>, vector<16xf32>
        %exp3A = math.exp %select_n3A : vector<16xf32>
        %slice3A = vector.extract_strided_slice %exp3A {offsets = [4], sizes = [1], strides = [1]} : vector<16xf32> to vector<1xf32>
        %squeeze3A = vector.extract %slice3A[0] : f32 from vector<1xf32>
        %slice3A_68 = vector.extract_strided_slice %exp3A {offsets = [5], sizes = [1], strides = [1]} : vector<16xf32> to vector<1xf32>
        %squeeze3A_69 = vector.extract %slice3A_68[0] : f32 from vector<1xf32>
        %slice3A_70 = vector.extract_strided_slice %exp3A {offsets = [6], sizes = [1], strides = [1]} : vector<16xf32> to vector<1xf32>
        %squeeze3A_71 = vector.extract %slice3A_70[0] : f32 from vector<1xf32>
        %slice3A_72 = vector.extract_strided_slice %exp3A {offsets = [7], sizes = [1], strides = [1]} : vector<16xf32> to vector<1xf32>
        %squeeze3A_73 = vector.extract %slice3A_72[0] : f32 from vector<1xf32>
        %get3A_74 = arith.index_cast %scan3A_54 : i32 to index
        %get3A_75 = arith.constant 0 : index
        %get3A_76 = tpu.vector_load %arg9[%get3A_74, %get3A_75] {strides = array<i32>} : memref<80x144xf32, #tpu.memory_space<vmem>>, vector<1x16xf32>,
        %get3A_77 = vector.shape_cast %get3A_76 : vector<1x16xf32> to vector<16xf32>
        %mul3A_78 = vector.broadcast %squeeze3A : f32 to vector<16xf32>
        %mul3A_79 = arith.mulf %get3A_77, %mul3A_78 : vector<16xf32>
        %swap3A = arith.index_cast %scan3A_54 : i32 to index
        %swap3A_80 = arith.constant 0 : index
        %swap3A_81 = tpu.vector_load %arg9[%swap3A, %swap3A_80] {strides = array<i32>} : memref<80x144xf32, #tpu.memory_space<vmem>>, vector<1x16xf32>,
        %swap3A_82 = vector.shape_cast %swap3A_81 : vector<1x16xf32> to vector<16xf32>
        %swap3A_83 = vector.shape_cast %mul3A_79 : vector<16xf32> to vector<1x16xf32>
        tpu.vector_store %arg9[%swap3A, %swap3A_80], %swap3A_83 {strides = array<i32>} : memref<80x144xf32, #tpu.memory_space<vmem>>, vector<1x16xf32>,
        %get3A_84 = arith.index_cast %scan3A_54 : i32 to index
        %get3A_85 = arith.constant 16 : index
        %get3A_86 = tpu.vector_load %arg9[%get3A_84, %get3A_85] {strides = array<i32>} : memref<80x144xf32, #tpu.memory_space<vmem>>, vector<1x16xf32>,
        %get3A_87 = vector.shape_cast %get3A_86 : vector<1x16xf32> to vector<16xf32>
        %mul3A_88 = vector.broadcast %squeeze3A : f32 to vector<16xf32>
        %mul3A_89 = arith.mulf %get3A_87, %mul3A_88 : vector<16xf32>
        %swap3A_90 = arith.index_cast %scan3A_54 : i32 to index
        %swap3A_91 = arith.constant 16 : index
        %swap3A_92 = tpu.vector_load %arg9[%swap3A_90, %swap3A_91] {strides = array<i32>} : memref<80x144xf32, #tpu.memory_space<vmem>>, vector<1x16xf32>,
        %swap3A_93 = vector.shape_cast %swap3A_92 : vector<1x16xf32> to vector<16xf32>
        %swap3A_94 = vector.shape_cast %mul3A_89 : vector<16xf32> to vector<1x16xf32>
        tpu.vector_store %arg9[%swap3A_90, %swap3A_91], %swap3A_94 {strides = array<i32>} : memref<80x144xf32, #tpu.memory_space<vmem>>, vector<1x16xf32>,
        %get3A_95 = arith.index_cast %scan3A_54 : i32 to index
        %get3A_96 = arith.constant 32 : index
        %get3A_97 = tpu.vector_load %arg9[%get3A_95, %get3A_96] {strides = array<i32>} : memref<80x144xf32, #tpu.memory_space<vmem>>, vector<1x16xf32>,
        %get3A_98 = vector.shape_cast %get3A_97 : vector<1x16xf32> to vector<16xf32>
        %mul3A_99 = vector.broadcast %squeeze3A_69 : f32 to vector<16xf32>
        %mul3A_100 = arith.mulf %get3A_98, %mul3A_99 : vector<16xf32>
        %swap3A_101 = arith.index_cast %scan3A_54 : i32 to index
        %swap3A_102 = arith.constant 32 : index
        %swap3A_103 = tpu.vector_load %arg9[%swap3A_101, %swap3A_102] {strides = array<i32>} : memref<80x144xf32, #tpu.memory_space<vmem>>, vector<1x16xf32>,
        %swap3A_104 = vector.shape_cast %swap3A_103 : vector<1x16xf32> to vector<16xf32>
        %swap3A_105 = vector.shape_cast %mul3A_100 : vector<16xf32> to vector<1x16xf32>
        tpu.vector_store %arg9[%swap3A_101, %swap3A_102], %swap3A_105 {strides = array<i32>} : memref<80x144xf32, #tpu.memory_space<vmem>>, vector<1x16xf32>,
        %get3A_106 = arith.index_cast %scan3A_54 : i32 to index
        %get3A_107 = arith.constant 48 : index
        %get3A_108 = tpu.vector_load %arg9[%get3A_106, %get3A_107] {strides = array<i32>} : memref<80x144xf32, #tpu.memory_space<vmem>>, vector<1x16xf32>,
        %get3A_109 = vector.shape_cast %get3A_108 : vector<1x16xf32> to vector<16xf32>
        %mul3A_110 = vector.broadcast %squeeze3A_69 : f32 to vector<16xf32>
        %mul3A_111 = arith.mulf %get3A_109, %mul3A_110 : vector<16xf32>
        %swap3A_112 = arith.index_cast %scan3A_54 : i32 to index
        %swap3A_113 = arith.constant 48 : index
        %swap3A_114 = tpu.vector_load %arg9[%swap3A_112, %swap3A_113] {strides = array<i32>} : memref<80x144xf32, #tpu.memory_space<vmem>>, vector<1x16xf32>,
        %swap3A_115 = vector.shape_cast %swap3A_114 : vector<1x16xf32> to vector<16xf32>
        %swap3A_116 = vector.shape_cast %mul3A_111 : vector<16xf32> to vector<1x16xf32>
        tpu.vector_store %arg9[%swap3A_112, %swap3A_113], %swap3A_116 {strides = array<i32>} : memref<80x144xf32, #tpu.memory_space<vmem>>, vector<1x16xf32>,
        %get3A_117 = arith.index_cast %scan3A_54 : i32 to index
        %get3A_118 = arith.constant 64 : index
        %get3A_119 = tpu.vector_load %arg9[%get3A_117, %get3A_118] {strides = array<i32>} : memref<80x144xf32, #tpu.memory_space<vmem>>, vector<1x16xf32>,
        %get3A_120 = vector.shape_cast %get3A_119 : vector<1x16xf32> to vector<16xf32>
        %mul3A_121 = vector.broadcast %squeeze3A_71 : f32 to vector<16xf32>
        %mul3A_122 = arith.mulf %get3A_120, %mul3A_121 : vector<16xf32>
        %swap3A_123 = arith.index_cast %scan3A_54 : i32 to index
        %swap3A_124 = arith.constant 64 : index
        %swap3A_125 = tpu.vector_load %arg9[%swap3A_123, %swap3A_124] {strides = array<i32>} : memref<80x144xf32, #tpu.memory_space<vmem>>, vector<1x16xf32>,
        %swap3A_126 = vector.shape_cast %swap3A_125 : vector<1x16xf32> to vector<16xf32>
        %swap3A_127 = vector.shape_cast %mul3A_122 : vector<16xf32> to vector<1x16xf32>
        tpu.vector_store %arg9[%swap3A_123, %swap3A_124], %swap3A_127 {strides = array<i32>} : memref<80x144xf32, #tpu.memory_space<vmem>>, vector<1x16xf32>,
        %get3A_128 = arith.index_cast %scan3A_54 : i32 to index
        %get3A_129 = arith.constant 80 : index
        %get3A_130 = tpu.vector_load %arg9[%get3A_128, %get3A_129] {strides = array<i32>} : memref<80x144xf32, #tpu.memory_space<vmem>>, vector<1x16xf32>,
        %get3A_131 = vector.shape_cast %get3A_130 : vector<1x16xf32> to vector<16xf32>
        %mul3A_132 = vector.broadcast %squeeze3A_71 : f32 to vector<16xf32>
        %mul3A_133 = arith.mulf %get3A_131, %mul3A_132 : vector<16xf32>
        %swap3A_134 = arith.index_cast %scan3A_54 : i32 to index
        %swap3A_135 = arith.constant 80 : index
        %swap3A_136 = tpu.vector_load %arg9[%swap3A_134, %swap3A_135] {strides = array<i32>} : memref<80x144xf32, #tpu.memory_space<vmem>>, vector<1x16xf32>,
        %swap3A_137 = vector.shape_cast %swap3A_136 : vector<1x16xf32> to vector<16xf32>
        %swap3A_138 = vector.shape_cast %mul3A_133 : vector<16xf32> to vector<1x16xf32>
        tpu.vector_store %arg9[%swap3A_134, %swap3A_135], %swap3A_138 {strides = array<i32>} : memref<80x144xf32, #tpu.memory_space<vmem>>, vector<1x16xf32>,
        %get3A_139 = arith.index_cast %scan3A_54 : i32 to index
        %get3A_140 = arith.constant 96 : index
        %get3A_141 = tpu.vector_load %arg9[%get3A_139, %get3A_140] {strides = array<i32>} : memref<80x144xf32, #tpu.memory_space<vmem>>, vector<1x16xf32>,
        %get3A_142 = vector.shape_cast %get3A_141 : vector<1x16xf32> to vector<16xf32>
        %mul3A_143 = vector.broadcast %squeeze3A_73 : f32 to vector<16xf32>
        %mul3A_144 = arith.mulf %get3A_142, %mul3A_143 : vector<16xf32>
        %swap3A_145 = arith.index_cast %scan3A_54 : i32 to index
        %swap3A_146 = arith.constant 96 : index
        %swap3A_147 = tpu.vector_load %arg9[%swap3A_145, %swap3A_146] {strides = array<i32>} : memref<80x144xf32, #tpu.memory_space<vmem>>, vector<1x16xf32>,
        %swap3A_148 = vector.shape_cast %swap3A_147 : vector<1x16xf32> to vector<16xf32>
        %swap3A_149 = vector.shape_cast %mul3A_144 : vector<16xf32> to vector<1x16xf32>
        tpu.vector_store %arg9[%swap3A_145, %swap3A_146], %swap3A_149 {strides = array<i32>} : memref<80x144xf32, #tpu.memory_space<vmem>>, vector<1x16xf32>,
        %get3A_150 = arith.index_cast %scan3A_54 : i32 to index
        %get3A_151 = arith.constant 112 : index
        %get3A_152 = tpu.vector_load %arg9[%get3A_150, %get3A_151] {strides = array<i32>} : memref<80x144xf32, #tpu.memory_space<vmem>>, vector<1x16xf32>,
        %get3A_153 = vector.shape_cast %get3A_152 : vector<1x16xf32> to vector<16xf32>
        %mul3A_154 = vector.broadcast %squeeze3A_73 : f32 to vector<16xf32>
        %mul3A_155 = arith.mulf %get3A_153, %mul3A_154 : vector<16xf32>
        %swap3A_156 = arith.index_cast %scan3A_54 : i32 to index
        %swap3A_157 = arith.constant 112 : index
        %swap3A_158 = tpu.vector_load %arg9[%swap3A_156, %swap3A_157] {strides = array<i32>} : memref<80x144xf32, #tpu.memory_space<vmem>>, vector<1x16xf32>,
        %swap3A_159 = vector.shape_cast %swap3A_158 : vector<1x16xf32> to vector<16xf32>
        %swap3A_160 = vector.shape_cast %mul3A_155 : vector<16xf32> to vector<1x16xf32>
        tpu.vector_store %arg9[%swap3A_156, %swap3A_157], %swap3A_160 {strides = array<i32>} : memref<80x144xf32, #tpu.memory_space<vmem>>, vector<1x16xf32>,
        %iota3A = tpu.iota {dimensions = array<i32: 0>} : vector<16xi32>
        %eq3A_161 = arith.constant 0 : i32
        %eq3A_162 = vector.broadcast %eq3A_161 : i32 to vector<16xi32>
        %eq3A_163 = arith.cmpi eq, %iota3A, %eq3A_162 : vector<16xi32>
        %eq3A_164 = arith.constant 1 : i32
        %eq3A_165 = vector.broadcast %eq3A_164 : i32 to vector<16xi32>
        %eq3A_166 = arith.cmpi eq, %iota3A, %eq3A_165 : vector<16xi32>
        %eq3A_167 = arith.constant 2 : i32
        %eq3A_168 = vector.broadcast %eq3A_167 : i32 to vector<16xi32>
        %eq3A_169 = arith.cmpi eq, %iota3A, %eq3A_168 : vector<16xi32>
        %eq3A_170 = arith.constant 3 : i32
        %eq3A_171 = vector.broadcast %eq3A_170 : i32 to vector<16xi32>
        %eq3A_172 = arith.cmpi eq, %iota3A, %eq3A_171 : vector<16xi32>
        %jit3A = arith.constant 0.000000e+00 : f32
        %broadcast_in_dim3A = vector.broadcast %squeeze3A_73 : f32 to vector<16xf32>
        %broadcast_in_dim3A_173 = vector.broadcast %jit3A : f32 to vector<16xf32>
        %select_n3A_174 = arith.select %eq3A_172, %broadcast_in_dim3A, %broadcast_in_dim3A_173 : vector<16xi1>, vector<16xf32>
        %broadcast_in_dim3A_175 = vector.broadcast %squeeze3A_71 : f32 to vector<16xf32>
        %select_n3A_176 = arith.select %eq3A_169, %broadcast_in_dim3A_175, %select_n3A_174 : vector<16xi1>, vector<16xf32>
        %broadcast_in_dim3A_177 = vector.broadcast %squeeze3A_69 : f32 to vector<16xf32>
        %select_n3A_178 = arith.select %eq3A_166, %broadcast_in_dim3A_177, %select_n3A_176 : vector<16xi1>, vector<16xf32>
        %broadcast_in_dim3A_179 = vector.broadcast %squeeze3A : f32 to vector<16xf32>
        %select_n3A_180 = arith.select %eq3A_163, %broadcast_in_dim3A_179, %select_n3A_178 : vector<16xi1>, vector<16xf32>
        %swap3A_181 = arith.index_cast %scan3A_54 : i32 to index
        %swap3A_182 = arith.constant 128 : index
        %swap3A_183 = tpu.vector_load %arg9[%swap3A_181, %swap3A_182] {strides = array<i32>} : memref<80x144xf32, #tpu.memory_space<vmem>>, vector<1x16xf32>,
        %swap3A_184 = vector.shape_cast %swap3A_183 : vector<1x16xf32> to vector<16xf32>
        %swap3A_185 = vector.shape_cast %select_n3A_180 : vector<16xf32> to vector<1x16xf32>
        tpu.vector_store %arg9[%swap3A_181, %swap3A_182], %swap3A_185 {strides = array<i32>} : memref<80x144xf32, #tpu.memory_space<vmem>>, vector<1x16xf32>,
      }
      %scan3A_53 = arith.constant 80 : i32
      "tpu.region"() ({
        %run_scoped3A = tpu.sem_alloc : memref<!tpu.dma_semaphore, #tpu.memory_space<semaphore_mem>>
        %dma_start3A_54 = arith.constant 0 : i32
        %dma_start3A_55 = arith.constant 0 : i32
        %dma_start3A_56 = tpu.memref_slice %arg11[%dma_start3A_54, %dma_start3A_55] : memref<10000x144xf32, #tpu.memory_space<vmem_shared>> -> memref<10000x144xf32, #tpu.memory_space<vmem_shared>>
        tpu.enqueue_indirect_dma source(%arg9 : memref<80x144xf32, #tpu.memory_space<vmem>>) target(%dma_start3A_56 : memref<10000x144xf32, #tpu.memory_space<vmem_shared>>) offsets(%arg8 : memref<80xi32, #tpu.memory_space<vmem>>) semaphore(%run_scoped3A : memref<!tpu.dma_semaphore, #tpu.memory_space<semaphore_mem>>) {add = true}
        %dma_wait3A_57 = arith.constant 0 : i32
        %dma_wait3A_58 = arith.constant 0 : i32
        %dma_wait3A_59 = tpu.memref_slice %arg11[%dma_wait3A_57, %dma_wait3A_58] : memref<10000x144xf32, #tpu.memory_space<vmem_shared>> -> memref<10000x144xf32, #tpu.memory_space<vmem_shared>>
        tpu.wait_indirect_dma semaphore(%run_scoped3A : memref<!tpu.dma_semaphore, #tpu.memory_space<semaphore_mem>>) src(%arg9 : memref<80x144xf32, #tpu.memory_space<vmem>>) dst(%dma_wait3A_59 : memref<10000x144xf32, #tpu.memory_space<vmem_shared>>)
        tpu.yield
      }) : () -> ()
    }
    %scan3A_21 = arith.constant 125 : i32
    %barrier3A_22 = arith.constant 0 : index
    tpu.barrier barrier_id(%barrier3A_22)
    %scan3A_23 = arith.constant 0 : i32
    %scan3A_24 = arith.constant 0 : i32
    %scan3A_25 = arith.constant 8 : i32
    %scan3A_26 = arith.addi %scan3A_24, %scan3A_25 : i32
    %scan3A_27 = arith.constant 1 : i32
    scf.for %scan3A_34 = %scan3A_24 to %scan3A_26 step %scan3A_27  : i32 {
      %mul3A_35 = arith.constant 624 : i32
      %mul3A_36 = arith.muli %arg1, %mul3A_35 : i32
      %mul3A_37 = arith.constant 78 : i32
      %mul3A_38 = arith.muli %scan3A_34, %mul3A_37 : i32
      %add3A_39 = arith.addi %mul3A_36, %mul3A_38 : i32
      "tpu.region"() ({
        %run_scoped3A = tpu.sem_alloc : memref<!tpu.dma_semaphore, #tpu.memory_space<semaphore_mem>>
        %dma_start3A = arith.constant 0 : i32
        %dma_start3A_48 = arith.constant 0 : i32
        %dma_start3A_49 = tpu.memref_slice %arg9[%dma_start3A, %dma_start3A_48] : memref<80x144xf32, #tpu.memory_space<vmem>> -> memref<78x144xf32, #tpu.memory_space<vmem>>
        %dma_start3A_50 = arith.constant 0 : i32
        %dma_start3A_51 = tpu.memref_slice %arg11[%add3A_39, %dma_start3A_50] : memref<10000x144xf32, #tpu.memory_space<vmem_shared>> -> memref<78x144xf32, #tpu.memory_space<vmem_shared>>
        %dma_start3A_52 = arith.constant 0 : i32
        %dma_start3A_53 = arith.constant 0 : i32
        %dma_start3A_54 = tpu.memref_slice %arg9[%dma_start3A_52, %dma_start3A_53] : memref<80x144xf32, #tpu.memory_space<vmem>> -> memref<78x144xf32, #tpu.memory_space<vmem>>
        %dma_start3A_55 = arith.constant 0 : i32
        %dma_start3A_56 = tpu.memref_slice %arg11[%add3A_39, %dma_start3A_55] : memref<10000x144xf32, #tpu.memory_space<vmem_shared>> -> memref<78x144xf32, #tpu.memory_space<vmem_shared>>
        tpu.enqueue_dma source(%dma_start3A_56 : memref<78x144xf32, #tpu.memory_space<vmem_shared>>) target(%dma_start3A_54 : memref<78x144xf32, #tpu.memory_space<vmem>>) target_semaphore(%run_scoped3A : memref<!tpu.dma_semaphore, #tpu.memory_space<semaphore_mem>>)
        %dma_wait3A = arith.constant 0 : i32
        %dma_wait3A_57 = arith.constant 0 : i32
        %dma_wait3A_58 = tpu.memref_slice %arg9[%dma_wait3A, %dma_wait3A_57] : memref<80x144xf32, #tpu.memory_space<vmem>> -> memref<78x144xf32, #tpu.memory_space<vmem>>
        %dma_wait3A_59 = arith.constant 0 : i32
        %dma_wait3A_60 = tpu.memref_slice %arg11[%add3A_39, %dma_wait3A_59] : memref<10000x144xf32, #tpu.memory_space<vmem_shared>> -> memref<78x144xf32, #tpu.memory_space<vmem_shared>>
        %dma_wait3A_61 = arith.constant 0 : i32
        %dma_wait3A_62 = arith.constant 0 : i32
        %dma_wait3A_63 = tpu.memref_slice %arg9[%dma_wait3A_61, %dma_wait3A_62] : memref<80x144xf32, #tpu.memory_space<vmem>> -> memref<78x144xf32, #tpu.memory_space<vmem>>
        %dma_wait3A_64 = arith.constant 0 : i32
        %dma_wait3A_65 = tpu.memref_slice %arg11[%add3A_39, %dma_wait3A_64] : memref<10000x144xf32, #tpu.memory_space<vmem_shared>> -> memref<78x144xf32, #tpu.memory_space<vmem_shared>>
        tpu.wait_dma2 semaphore(%run_scoped3A : memref<!tpu.dma_semaphore, #tpu.memory_space<semaphore_mem>>) src(%dma_wait3A_65 : memref<78x144xf32, #tpu.memory_space<vmem_shared>>) dst(%dma_wait3A_63 : memref<78x144xf32, #tpu.memory_space<vmem>>)
        tpu.yield
      }) : () -> ()
      %mul3A_40 = arith.constant 10000 : i32
      %mul3A_41 = arith.muli %arg0, %mul3A_40 : i32
      %mul3A_42 = arith.constant 624 : i32
      %mul3A_43 = arith.muli %arg1, %mul3A_42 : i32
      %add3A_44 = arith.addi %mul3A_41, %mul3A_43 : i32
      %mul3A_45 = arith.constant 78 : i32
      %mul3A_46 = arith.muli %scan3A_34, %mul3A_45 : i32
      %add3A_47 = arith.addi %add3A_44, %mul3A_46 : i32
      "tpu.region"() ({
        %run_scoped3A = tpu.sem_alloc : memref<!tpu.dma_semaphore, #tpu.memory_space<semaphore_mem>>
        %dma_start3A = arith.constant 0 : i32
        %dma_start3A_48 = arith.constant 0 : i32
        %dma_start3A_49 = tpu.memref_slice %arg9[%dma_start3A, %dma_start3A_48] : memref<80x144xf32, #tpu.memory_space<vmem>> -> memref<78x144xf32, #tpu.memory_space<vmem>>
        %dma_start3A_50 = arith.constant 0 : i32
        %dma_start3A_51 = tpu.memref_slice %arg6[%add3A_47, %dma_start3A_50] : memref<20000x144xf32, #tpu.memory_space<hbm>> -> memref<78x144xf32, #tpu.memory_space<hbm>>
        %dma_start3A_52 = arith.constant 0 : i32
        %dma_start3A_53 = tpu.memref_slice %arg6[%add3A_47, %dma_start3A_52] : memref<20000x144xf32, #tpu.memory_space<hbm>> -> memref<78x144xf32, #tpu.memory_space<hbm>>
        %dma_start3A_54 = arith.constant 0 : i32
        %dma_start3A_55 = arith.constant 0 : i32
        %dma_start3A_56 = tpu.memref_slice %arg9[%dma_start3A_54, %dma_start3A_55] : memref<80x144xf32, #tpu.memory_space<vmem>> -> memref<78x144xf32, #tpu.memory_space<vmem>>
        tpu.enqueue_dma source(%dma_start3A_56 : memref<78x144xf32, #tpu.memory_space<vmem>>) target(%dma_start3A_53 : memref<78x144xf32, #tpu.memory_space<hbm>>) target_semaphore(%run_scoped3A : memref<!tpu.dma_semaphore, #tpu.memory_space<semaphore_mem>>)
        %dma_wait3A = arith.constant 0 : i32
        %dma_wait3A_57 = arith.constant 0 : i32
        %dma_wait3A_58 = tpu.memref_slice %arg9[%dma_wait3A, %dma_wait3A_57] : memref<80x144xf32, #tpu.memory_space<vmem>> -> memref<78x144xf32, #tpu.memory_space<vmem>>
        %dma_wait3A_59 = arith.constant 0 : i32
        %dma_wait3A_60 = tpu.memref_slice %arg6[%add3A_47, %dma_wait3A_59] : memref<20000x144xf32, #tpu.memory_space<hbm>> -> memref<78x144xf32, #tpu.memory_space<hbm>>
        %dma_wait3A_61 = arith.constant 0 : i32
        %dma_wait3A_62 = tpu.memref_slice %arg6[%add3A_47, %dma_wait3A_61] : memref<20000x144xf32, #tpu.memory_space<hbm>> -> memref<78x144xf32, #tpu.memory_space<hbm>>
        %dma_wait3A_63 = arith.constant 0 : i32
        %dma_wait3A_64 = arith.constant 0 : i32
        %dma_wait3A_65 = tpu.memref_slice %arg9[%dma_wait3A_63, %dma_wait3A_64] : memref<80x144xf32, #tpu.memory_space<vmem>> -> memref<78x144xf32, #tpu.memory_space<vmem>>
        tpu.wait_dma2 semaphore(%run_scoped3A : memref<!tpu.dma_semaphore, #tpu.memory_space<semaphore_mem>>) src(%dma_wait3A_65 : memref<78x144xf32, #tpu.memory_space<vmem>>) dst(%dma_wait3A_62 : memref<78x144xf32, #tpu.memory_space<hbm>>)
        tpu.yield
      }) : () -> ()
    }
    %scan3A_28 = arith.constant 8 : i32
    %eq3A_29 = arith.constant 15 : i32
    %eq3A_30 = arith.cmpi eq, %arg1, %eq3A_29 : i32
    %convert_element_type3A_31 = arith.extui %eq3A_30 : i1 to i32
    %cond3A_32 = arith.constant 0 : i32
    %cond3A_33 = arith.cmpi ne, %convert_element_type3A_31, %cond3A_32 : i32
    scf.if %cond3A_33 {
      "tpu.region"() ({
        %run_scoped3A = tpu.sem_alloc : memref<!tpu.dma_semaphore, #tpu.memory_space<semaphore_mem>>
        %dma_start3A = arith.constant 0 : i32
        %dma_start3A_38 = arith.constant 0 : i32
        %dma_start3A_39 = tpu.memref_slice %arg9[%dma_start3A, %dma_start3A_38] : memref<80x144xf32, #tpu.memory_space<vmem>> -> memref<16x144xf32, #tpu.memory_space<vmem>>
        %dma_start3A_40 = arith.constant 9984 : i32
        %dma_start3A_41 = arith.constant 0 : i32
        %dma_start3A_42 = tpu.memref_slice %arg11[%dma_start3A_40, %dma_start3A_41] : memref<10000x144xf32, #tpu.memory_space<vmem_shared>> -> memref<16x144xf32, #tpu.memory_space<vmem_shared>>
        %dma_start3A_43 = arith.constant 0 : i32
        %dma_start3A_44 = arith.constant 0 : i32
        %dma_start3A_45 = tpu.memref_slice %arg9[%dma_start3A_43, %dma_start3A_44] : memref<80x144xf32, #tpu.memory_space<vmem>> -> memref<16x144xf32, #tpu.memory_space<vmem>>
        %dma_start3A_46 = arith.constant 9984 : i32
        %dma_start3A_47 = arith.constant 0 : i32
        %dma_start3A_48 = tpu.memref_slice %arg11[%dma_start3A_46, %dma_start3A_47] : memref<10000x144xf32, #tpu.memory_space<vmem_shared>> -> memref<16x144xf32, #tpu.memory_space<vmem_shared>>
        tpu.enqueue_dma source(%dma_start3A_48 : memref<16x144xf32, #tpu.memory_space<vmem_shared>>) target(%dma_start3A_45 : memref<16x144xf32, #tpu.memory_space<vmem>>) target_semaphore(%run_scoped3A : memref<!tpu.dma_semaphore, #tpu.memory_space<semaphore_mem>>)
        %dma_wait3A = arith.constant 0 : i32
        %dma_wait3A_49 = arith.constant 0 : i32
        %dma_wait3A_50 = tpu.memref_slice %arg9[%dma_wait3A, %dma_wait3A_49] : memref<80x144xf32, #tpu.memory_space<vmem>> -> memref<16x144xf32, #tpu.memory_space<vmem>>
        %dma_wait3A_51 = arith.constant 9984 : i32
        %dma_wait3A_52 = arith.constant 0 : i32
        %dma_wait3A_53 = tpu.memref_slice %arg11[%dma_wait3A_51, %dma_wait3A_52] : memref<10000x144xf32, #tpu.memory_space<vmem_shared>> -> memref<16x144xf32, #tpu.memory_space<vmem_shared>>
        %dma_wait3A_54 = arith.constant 0 : i32
        %dma_wait3A_55 = arith.constant 0 : i32
        %dma_wait3A_56 = tpu.memref_slice %arg9[%dma_wait3A_54, %dma_wait3A_55] : memref<80x144xf32, #tpu.memory_space<vmem>> -> memref<16x144xf32, #tpu.memory_space<vmem>>
        %dma_wait3A_57 = arith.constant 9984 : i32
        %dma_wait3A_58 = arith.constant 0 : i32
        %dma_wait3A_59 = tpu.memref_slice %arg11[%dma_wait3A_57, %dma_wait3A_58] : memref<10000x144xf32, #tpu.memory_space<vmem_shared>> -> memref<16x144xf32, #tpu.memory_space<vmem_shared>>
        tpu.wait_dma2 semaphore(%run_scoped3A : memref<!tpu.dma_semaphore, #tpu.memory_space<semaphore_mem>>) src(%dma_wait3A_59 : memref<16x144xf32, #tpu.memory_space<vmem_shared>>) dst(%dma_wait3A_56 : memref<16x144xf32, #tpu.memory_space<vmem>>)
        tpu.yield
      }) : () -> ()
      %mul3A_34 = arith.constant 10000 : i32
      %mul3A_35 = arith.muli %arg0, %mul3A_34 : i32
      %add3A_36 = arith.constant 9984 : i32
      %add3A_37 = arith.addi %mul3A_35, %add3A_36 : i32
      "tpu.region"() ({
        %run_scoped3A = tpu.sem_alloc : memref<!tpu.dma_semaphore, #tpu.memory_space<semaphore_mem>>
        %dma_start3A = arith.constant 0 : i32
        %dma_start3A_38 = arith.constant 0 : i32
        %dma_start3A_39 = tpu.memref_slice %arg9[%dma_start3A, %dma_start3A_38] : memref<80x144xf32, #tpu.memory_space<vmem>> -> memref<16x144xf32, #tpu.memory_space<vmem>>
        %dma_start3A_40 = arith.constant 0 : i32
        %dma_start3A_41 = tpu.memref_slice %arg6[%add3A_37, %dma_start3A_40] : memref<20000x144xf32, #tpu.memory_space<hbm>> -> memref<16x144xf32, #tpu.memory_space<hbm>>
        %dma_start3A_42 = arith.constant 0 : i32
        %dma_start3A_43 = tpu.memref_slice %arg6[%add3A_37, %dma_start3A_42] : memref<20000x144xf32, #tpu.memory_space<hbm>> -> memref<16x144xf32, #tpu.memory_space<hbm>>
        %dma_start3A_44 = arith.constant 0 : i32
        %dma_start3A_45 = arith.constant 0 : i32
        %dma_start3A_46 = tpu.memref_slice %arg9[%dma_start3A_44, %dma_start3A_45] : memref<80x144xf32, #tpu.memory_space<vmem>> -> memref<16x144xf32, #tpu.memory_space<vmem>>
        tpu.enqueue_dma source(%dma_start3A_46 : memref<16x144xf32, #tpu.memory_space<vmem>>) target(%dma_start3A_43 : memref<16x144xf32, #tpu.memory_space<hbm>>) target_semaphore(%run_scoped3A : memref<!tpu.dma_semaphore, #tpu.memory_space<semaphore_mem>>)
        %dma_wait3A = arith.constant 0 : i32
        %dma_wait3A_47 = arith.constant 0 : i32
        %dma_wait3A_48 = tpu.memref_slice %arg9[%dma_wait3A, %dma_wait3A_47] : memref<80x144xf32, #tpu.memory_space<vmem>> -> memref<16x144xf32, #tpu.memory_space<vmem>>
        %dma_wait3A_49 = arith.constant 0 : i32
        %dma_wait3A_50 = tpu.memref_slice %arg6[%add3A_37, %dma_wait3A_49] : memref<20000x144xf32, #tpu.memory_space<hbm>> -> memref<16x144xf32, #tpu.memory_space<hbm>>
        %dma_wait3A_51 = arith.constant 0 : i32
        %dma_wait3A_52 = tpu.memref_slice %arg6[%add3A_37, %dma_wait3A_51] : memref<20000x144xf32, #tpu.memory_space<hbm>> -> memref<16x144xf32, #tpu.memory_space<hbm>>
        %dma_wait3A_53 = arith.constant 0 : i32
        %dma_wait3A_54 = arith.constant 0 : i32
        %dma_wait3A_55 = tpu.memref_slice %arg9[%dma_wait3A_53, %dma_wait3A_54] : memref<80x144xf32, #tpu.memory_space<vmem>> -> memref<16x144xf32, #tpu.memory_space<vmem>>
        tpu.wait_dma2 semaphore(%run_scoped3A : memref<!tpu.dma_semaphore, #tpu.memory_space<semaphore_mem>>) src(%dma_wait3A_55 : memref<16x144xf32, #tpu.memory_space<vmem>>) dst(%dma_wait3A_52 : memref<16x144xf32, #tpu.memory_space<hbm>>)
        tpu.yield
      }) : () -> ()
    } else {
    }
    return
  }
}

#map = affine_map<(d0, d1) -> (0)>
#map1 = affine_map<(d0, d1) -> (0, 0)>
module attributes {stable_mosaic.version = 14 : i64} {
  func.func @_edge2_body(%arg0: i32, %arg1: i32, %arg2: memref<320000xi32, #tpu.memory_space<hbm>>, %arg3: memref<320000xi32, #tpu.memory_space<hbm>>, %arg4: memref<10000x16xf32, #tpu.memory_space<hbm>>, %arg5: memref<10000x16xf32, #tpu.memory_space<hbm>>, %arg6: memref<20000x16xf32, #tpu.memory_space<hbm>>, %arg7: memref<80xi32, #tpu.memory_space<vmem>>, %arg8: memref<80xi32, #tpu.memory_space<vmem>>, %arg9: memref<80x16xf32, #tpu.memory_space<vmem>>, %arg10: memref<80x16xf32, #tpu.memory_space<vmem>>, %arg11: memref<10000x16xf32, #tpu.memory_space<vmem_shared>>, %arg12: memref<!tpu.dma_semaphore, #tpu.memory_space<semaphore_mem>>, %arg13: memref<!tpu.dma_semaphore, #tpu.memory_space<semaphore_mem>>) attributes {dimension_semantics = [#tpu.dimension_semantics<core_parallel>, #tpu.dimension_semantics<subcore_parallel>], iteration_bounds = array<i64: 2, 16>, scalar_prefetch = 0 : i64, scratch_operands = 7 : i64, tpu.core_type = #tpu.core_type<sc_vector_subcore>, window_params = [{transform_indices = #map}, {transform_indices = #map}, {transform_indices = #map1}, {transform_indices = #map1}, {transform_indices = #map1}]} {
    %mul3A = arith.constant 16 : i32
    %mul3A_0 = arith.muli %arg0, %mul3A : i32
    %add3A = arith.addi %mul3A_0, %arg1 : i32
    %scan3A = arith.constant 0 : i32
    %scan3A_1 = arith.constant 0 : i32
    %scan3A_2 = arith.constant 80 : i32
    %scan3A_3 = arith.addi %scan3A_1, %scan3A_2 : i32
    %scan3A_4 = arith.constant 1 : i32
    scf.for %scan3A_34 = %scan3A_1 to %scan3A_3 step %scan3A_4  : i32 {
      %broadcast_in_dim3A = arith.constant 0.000000e+00 : f32
      %broadcast_in_dim3A_35 = vector.broadcast %broadcast_in_dim3A : f32 to vector<16xf32>
      %swap3A = arith.index_cast %scan3A_34 : i32 to index
      %swap3A_36 = arith.constant 0 : index
      %swap3A_37 = tpu.vector_load %arg9[%swap3A, %swap3A_36] {strides = array<i32>} : memref<80x16xf32, #tpu.memory_space<vmem>>, vector<1x16xf32>,
      %swap3A_38 = vector.shape_cast %swap3A_37 : vector<1x16xf32> to vector<16xf32>
      %swap3A_39 = vector.shape_cast %broadcast_in_dim3A_35 : vector<16xf32> to vector<1x16xf32>
      tpu.vector_store %arg9[%swap3A, %swap3A_36], %swap3A_39 {strides = array<i32>} : memref<80x16xf32, #tpu.memory_space<vmem>>, vector<1x16xf32>,
    }
    %scan3A_5 = arith.constant 80 : i32
    %scan3A_6 = arith.constant 0 : i32
    %scan3A_7 = arith.constant 0 : i32
    %scan3A_8 = arith.constant 8 : i32
    %scan3A_9 = arith.addi %scan3A_7, %scan3A_8 : i32
    %scan3A_10 = arith.constant 1 : i32
    scf.for %scan3A_34 = %scan3A_7 to %scan3A_9 step %scan3A_10  : i32 {
      %mul3A_35 = arith.constant 624 : i32
      %mul3A_36 = arith.muli %arg1, %mul3A_35 : i32
      %mul3A_37 = arith.constant 78 : i32
      %mul3A_38 = arith.muli %scan3A_34, %mul3A_37 : i32
      %add3A_39 = arith.addi %mul3A_36, %mul3A_38 : i32
      "tpu.region"() ({
        %run_scoped3A = tpu.sem_alloc : memref<!tpu.dma_semaphore, #tpu.memory_space<semaphore_mem>>
        %dma_start3A = arith.constant 0 : i32
        %dma_start3A_40 = arith.constant 0 : i32
        %dma_start3A_41 = tpu.memref_slice %arg9[%dma_start3A, %dma_start3A_40] : memref<80x16xf32, #tpu.memory_space<vmem>> -> memref<78x16xf32, #tpu.memory_space<vmem>>
        %dma_start3A_42 = arith.constant 0 : i32
        %dma_start3A_43 = tpu.memref_slice %arg11[%add3A_39, %dma_start3A_42] : memref<10000x16xf32, #tpu.memory_space<vmem_shared>> -> memref<78x16xf32, #tpu.memory_space<vmem_shared>>
        %dma_start3A_44 = arith.constant 0 : i32
        %dma_start3A_45 = tpu.memref_slice %arg11[%add3A_39, %dma_start3A_44] : memref<10000x16xf32, #tpu.memory_space<vmem_shared>> -> memref<78x16xf32, #tpu.memory_space<vmem_shared>>
        %dma_start3A_46 = arith.constant 0 : i32
        %dma_start3A_47 = arith.constant 0 : i32
        %dma_start3A_48 = tpu.memref_slice %arg9[%dma_start3A_46, %dma_start3A_47] : memref<80x16xf32, #tpu.memory_space<vmem>> -> memref<78x16xf32, #tpu.memory_space<vmem>>
        tpu.enqueue_dma source(%dma_start3A_48 : memref<78x16xf32, #tpu.memory_space<vmem>>) target(%dma_start3A_45 : memref<78x16xf32, #tpu.memory_space<vmem_shared>>) target_semaphore(%run_scoped3A : memref<!tpu.dma_semaphore, #tpu.memory_space<semaphore_mem>>)
        %dma_wait3A = arith.constant 0 : i32
        %dma_wait3A_49 = arith.constant 0 : i32
        %dma_wait3A_50 = tpu.memref_slice %arg9[%dma_wait3A, %dma_wait3A_49] : memref<80x16xf32, #tpu.memory_space<vmem>> -> memref<78x16xf32, #tpu.memory_space<vmem>>
        %dma_wait3A_51 = arith.constant 0 : i32
        %dma_wait3A_52 = tpu.memref_slice %arg11[%add3A_39, %dma_wait3A_51] : memref<10000x16xf32, #tpu.memory_space<vmem_shared>> -> memref<78x16xf32, #tpu.memory_space<vmem_shared>>
        %dma_wait3A_53 = arith.constant 0 : i32
        %dma_wait3A_54 = tpu.memref_slice %arg11[%add3A_39, %dma_wait3A_53] : memref<10000x16xf32, #tpu.memory_space<vmem_shared>> -> memref<78x16xf32, #tpu.memory_space<vmem_shared>>
        %dma_wait3A_55 = arith.constant 0 : i32
        %dma_wait3A_56 = arith.constant 0 : i32
        %dma_wait3A_57 = tpu.memref_slice %arg9[%dma_wait3A_55, %dma_wait3A_56] : memref<80x16xf32, #tpu.memory_space<vmem>> -> memref<78x16xf32, #tpu.memory_space<vmem>>
        tpu.wait_dma2 semaphore(%run_scoped3A : memref<!tpu.dma_semaphore, #tpu.memory_space<semaphore_mem>>) src(%dma_wait3A_57 : memref<78x16xf32, #tpu.memory_space<vmem>>) dst(%dma_wait3A_54 : memref<78x16xf32, #tpu.memory_space<vmem_shared>>)
        tpu.yield
      }) : () -> ()
    }
    %scan3A_11 = arith.constant 8 : i32
    %eq3A = arith.constant 15 : i32
    %eq3A_12 = arith.cmpi eq, %arg1, %eq3A : i32
    %convert_element_type3A = arith.extui %eq3A_12 : i1 to i32
    %cond3A = arith.constant 0 : i32
    %cond3A_13 = arith.cmpi ne, %convert_element_type3A, %cond3A : i32
    scf.if %cond3A_13 {
      "tpu.region"() ({
        %run_scoped3A = tpu.sem_alloc : memref<!tpu.dma_semaphore, #tpu.memory_space<semaphore_mem>>
        %dma_start3A = arith.constant 0 : i32
        %dma_start3A_34 = arith.constant 0 : i32
        %dma_start3A_35 = tpu.memref_slice %arg9[%dma_start3A, %dma_start3A_34] : memref<80x16xf32, #tpu.memory_space<vmem>> -> memref<16x16xf32, #tpu.memory_space<vmem>>
        %dma_start3A_36 = arith.constant 9984 : i32
        %dma_start3A_37 = arith.constant 0 : i32
        %dma_start3A_38 = tpu.memref_slice %arg11[%dma_start3A_36, %dma_start3A_37] : memref<10000x16xf32, #tpu.memory_space<vmem_shared>> -> memref<16x16xf32, #tpu.memory_space<vmem_shared>>
        %dma_start3A_39 = arith.constant 9984 : i32
        %dma_start3A_40 = arith.constant 0 : i32
        %dma_start3A_41 = tpu.memref_slice %arg11[%dma_start3A_39, %dma_start3A_40] : memref<10000x16xf32, #tpu.memory_space<vmem_shared>> -> memref<16x16xf32, #tpu.memory_space<vmem_shared>>
        %dma_start3A_42 = arith.constant 0 : i32
        %dma_start3A_43 = arith.constant 0 : i32
        %dma_start3A_44 = tpu.memref_slice %arg9[%dma_start3A_42, %dma_start3A_43] : memref<80x16xf32, #tpu.memory_space<vmem>> -> memref<16x16xf32, #tpu.memory_space<vmem>>
        tpu.enqueue_dma source(%dma_start3A_44 : memref<16x16xf32, #tpu.memory_space<vmem>>) target(%dma_start3A_41 : memref<16x16xf32, #tpu.memory_space<vmem_shared>>) target_semaphore(%run_scoped3A : memref<!tpu.dma_semaphore, #tpu.memory_space<semaphore_mem>>)
        %dma_wait3A = arith.constant 0 : i32
        %dma_wait3A_45 = arith.constant 0 : i32
        %dma_wait3A_46 = tpu.memref_slice %arg9[%dma_wait3A, %dma_wait3A_45] : memref<80x16xf32, #tpu.memory_space<vmem>> -> memref<16x16xf32, #tpu.memory_space<vmem>>
        %dma_wait3A_47 = arith.constant 9984 : i32
        %dma_wait3A_48 = arith.constant 0 : i32
        %dma_wait3A_49 = tpu.memref_slice %arg11[%dma_wait3A_47, %dma_wait3A_48] : memref<10000x16xf32, #tpu.memory_space<vmem_shared>> -> memref<16x16xf32, #tpu.memory_space<vmem_shared>>
        %dma_wait3A_50 = arith.constant 9984 : i32
        %dma_wait3A_51 = arith.constant 0 : i32
        %dma_wait3A_52 = tpu.memref_slice %arg11[%dma_wait3A_50, %dma_wait3A_51] : memref<10000x16xf32, #tpu.memory_space<vmem_shared>> -> memref<16x16xf32, #tpu.memory_space<vmem_shared>>
        %dma_wait3A_53 = arith.constant 0 : i32
        %dma_wait3A_54 = arith.constant 0 : i32
        %dma_wait3A_55 = tpu.memref_slice %arg9[%dma_wait3A_53, %dma_wait3A_54] : memref<80x16xf32, #tpu.memory_space<vmem>> -> memref<16x16xf32, #tpu.memory_space<vmem>>
        tpu.wait_dma2 semaphore(%run_scoped3A : memref<!tpu.dma_semaphore, #tpu.memory_space<semaphore_mem>>) src(%dma_wait3A_55 : memref<16x16xf32, #tpu.memory_space<vmem>>) dst(%dma_wait3A_52 : memref<16x16xf32, #tpu.memory_space<vmem_shared>>)
        tpu.yield
      }) : () -> ()
    } else {
    }
    %barrier3A = arith.constant 0 : index
    tpu.barrier barrier_id(%barrier3A)
    %mul3A_14 = arith.constant 10000 : i32
    %mul3A_15 = arith.muli %add3A, %mul3A_14 : i32
    %scan3A_16 = arith.constant 0 : i32
    %scan3A_17 = arith.constant 0 : i32
    %scan3A_18 = arith.constant 125 : i32
    %scan3A_19 = arith.addi %scan3A_17, %scan3A_18 : i32
    %scan3A_20 = arith.constant 1 : i32
    scf.for %scan3A_34 = %scan3A_17 to %scan3A_19 step %scan3A_20  : i32 {
      %mul3A_35 = arith.constant 80 : i32
      %mul3A_36 = arith.muli %scan3A_34, %mul3A_35 : i32
      %add3A_37 = arith.addi %mul3A_15, %mul3A_36 : i32
      "tpu.region"() ({
        %run_scoped3A = tpu.sem_alloc : memref<!tpu.dma_semaphore, #tpu.memory_space<semaphore_mem>>
        %dma_start3A_54 = tpu.memref_slice %arg2[%add3A_37] : memref<320000xi32, #tpu.memory_space<hbm>> -> memref<80xi32, #tpu.memory_space<hbm>>
        %dma_start3A_55 = tpu.memref_slice %arg2[%add3A_37] : memref<320000xi32, #tpu.memory_space<hbm>> -> memref<80xi32, #tpu.memory_space<hbm>>
        tpu.enqueue_dma source(%dma_start3A_55 : memref<80xi32, #tpu.memory_space<hbm>>) target(%arg7 : memref<80xi32, #tpu.memory_space<vmem>>) target_semaphore(%run_scoped3A : memref<!tpu.dma_semaphore, #tpu.memory_space<semaphore_mem>>)
        %dma_wait3A_56 = tpu.memref_slice %arg2[%add3A_37] : memref<320000xi32, #tpu.memory_space<hbm>> -> memref<80xi32, #tpu.memory_space<hbm>>
        %dma_wait3A_57 = tpu.memref_slice %arg2[%add3A_37] : memref<320000xi32, #tpu.memory_space<hbm>> -> memref<80xi32, #tpu.memory_space<hbm>>
        tpu.wait_dma2 semaphore(%run_scoped3A : memref<!tpu.dma_semaphore, #tpu.memory_space<semaphore_mem>>) src(%dma_wait3A_57 : memref<80xi32, #tpu.memory_space<hbm>>) dst(%arg7 : memref<80xi32, #tpu.memory_space<vmem>>)
        tpu.yield
      }) : () -> ()
      "tpu.region"() ({
        %run_scoped3A = tpu.sem_alloc : memref<!tpu.dma_semaphore, #tpu.memory_space<semaphore_mem>>
        %dma_start3A_54 = tpu.memref_slice %arg3[%add3A_37] : memref<320000xi32, #tpu.memory_space<hbm>> -> memref<80xi32, #tpu.memory_space<hbm>>
        %dma_start3A_55 = tpu.memref_slice %arg3[%add3A_37] : memref<320000xi32, #tpu.memory_space<hbm>> -> memref<80xi32, #tpu.memory_space<hbm>>
        tpu.enqueue_dma source(%dma_start3A_55 : memref<80xi32, #tpu.memory_space<hbm>>) target(%arg8 : memref<80xi32, #tpu.memory_space<vmem>>) target_semaphore(%run_scoped3A : memref<!tpu.dma_semaphore, #tpu.memory_space<semaphore_mem>>)
        %dma_wait3A_56 = tpu.memref_slice %arg3[%add3A_37] : memref<320000xi32, #tpu.memory_space<hbm>> -> memref<80xi32, #tpu.memory_space<hbm>>
        %dma_wait3A_57 = tpu.memref_slice %arg3[%add3A_37] : memref<320000xi32, #tpu.memory_space<hbm>> -> memref<80xi32, #tpu.memory_space<hbm>>
        tpu.wait_dma2 semaphore(%run_scoped3A : memref<!tpu.dma_semaphore, #tpu.memory_space<semaphore_mem>>) src(%dma_wait3A_57 : memref<80xi32, #tpu.memory_space<hbm>>) dst(%arg8 : memref<80xi32, #tpu.memory_space<vmem>>)
        tpu.yield
      }) : () -> ()
      %dma_start3A = arith.constant 0 : i32
      %dma_start3A_38 = arith.constant 0 : i32
      %dma_start3A_39 = tpu.memref_slice %arg4[%dma_start3A, %dma_start3A_38] : memref<10000x16xf32, #tpu.memory_space<hbm>> -> memref<10000x16xf32, #tpu.memory_space<hbm>>
      tpu.enqueue_indirect_dma source(%dma_start3A_39 : memref<10000x16xf32, #tpu.memory_space<hbm>>) target(%arg9 : memref<80x16xf32, #tpu.memory_space<vmem>>) offsets(%arg7 : memref<80xi32, #tpu.memory_space<vmem>>) semaphore(%arg12 : memref<!tpu.dma_semaphore, #tpu.memory_space<semaphore_mem>>)
      %dma_start3A_40 = arith.constant 0 : i32
      %dma_start3A_41 = arith.constant 0 : i32
      %dma_start3A_42 = tpu.memref_slice %arg5[%dma_start3A_40, %dma_start3A_41] : memref<10000x16xf32, #tpu.memory_space<hbm>> -> memref<10000x16xf32, #tpu.memory_space<hbm>>
      tpu.enqueue_indirect_dma source(%dma_start3A_42 : memref<10000x16xf32, #tpu.memory_space<hbm>>) target(%arg10 : memref<80x16xf32, #tpu.memory_space<vmem>>) offsets(%arg8 : memref<80xi32, #tpu.memory_space<vmem>>) semaphore(%arg13 : memref<!tpu.dma_semaphore, #tpu.memory_space<semaphore_mem>>)
      %dma_wait3A = arith.constant 0 : i32
      %dma_wait3A_43 = arith.constant 0 : i32
      %dma_wait3A_44 = tpu.memref_slice %arg4[%dma_wait3A, %dma_wait3A_43] : memref<10000x16xf32, #tpu.memory_space<hbm>> -> memref<10000x16xf32, #tpu.memory_space<hbm>>
      tpu.wait_indirect_dma semaphore(%arg12 : memref<!tpu.dma_semaphore, #tpu.memory_space<semaphore_mem>>) src(%dma_wait3A_44 : memref<10000x16xf32, #tpu.memory_space<hbm>>) dst(%arg9 : memref<80x16xf32, #tpu.memory_space<vmem>>)
      %dma_wait3A_45 = arith.constant 0 : i32
      %dma_wait3A_46 = arith.constant 0 : i32
      %dma_wait3A_47 = tpu.memref_slice %arg5[%dma_wait3A_45, %dma_wait3A_46] : memref<10000x16xf32, #tpu.memory_space<hbm>> -> memref<10000x16xf32, #tpu.memory_space<hbm>>
      tpu.wait_indirect_dma semaphore(%arg13 : memref<!tpu.dma_semaphore, #tpu.memory_space<semaphore_mem>>) src(%dma_wait3A_47 : memref<10000x16xf32, #tpu.memory_space<hbm>>) dst(%arg10 : memref<80x16xf32, #tpu.memory_space<vmem>>)
      %scan3A_48 = arith.constant 0 : i32
      %scan3A_49 = arith.constant 0 : i32
      %scan3A_50 = arith.constant 80 : i32
      %scan3A_51 = arith.addi %scan3A_49, %scan3A_50 : i32
      %scan3A_52 = arith.constant 1 : i32
      scf.for %scan3A_54 = %scan3A_49 to %scan3A_51 step %scan3A_52  : i32 {
        %get3A = arith.index_cast %scan3A_54 : i32 to index
        %get3A_55 = arith.constant 0 : index
        %get3A_56 = tpu.vector_load %arg9[%get3A, %get3A_55] {strides = array<i32>} : memref<80x16xf32, #tpu.memory_space<vmem>>, vector<1x16xf32>,
        %get3A_57 = vector.shape_cast %get3A_56 : vector<1x16xf32> to vector<16xf32>
        %get3A_58 = arith.index_cast %scan3A_54 : i32 to index
        %get3A_59 = arith.constant 0 : index
        %get3A_60 = tpu.vector_load %arg10[%get3A_58, %get3A_59] {strides = array<i32>} : memref<80x16xf32, #tpu.memory_space<vmem>>, vector<1x16xf32>,
        %get3A_61 = vector.shape_cast %get3A_60 : vector<1x16xf32> to vector<16xf32>
        %add3A_62 = arith.addf %get3A_57, %get3A_61 : vector<16xf32>
        %gt3A = arith.constant 0.000000e+00 : f32
        %gt3A_63 = vector.broadcast %gt3A : f32 to vector<16xf32>
        %gt3A_64 = arith.cmpf ogt, %add3A_62, %gt3A_63 : vector<16xf32>
        %mul3A_65 = arith.constant 2.000000e-01 : f32
        %mul3A_66 = vector.broadcast %mul3A_65 : f32 to vector<16xf32>
        %mul3A_67 = arith.mulf %mul3A_66, %add3A_62 : vector<16xf32>
        %select_n3A = arith.select %gt3A_64, %add3A_62, %mul3A_67 : vector<16xi1>, vector<16xf32>
        %exp3A = math.exp %select_n3A : vector<16xf32>
        %slice3A = vector.extract_strided_slice %exp3A {offsets = [3], sizes = [1], strides = [1]} : vector<16xf32> to vector<1xf32>
        %squeeze3A = vector.extract %slice3A[0] : f32 from vector<1xf32>
        %iota3A = tpu.iota {dimensions = array<i32: 0>} : vector<16xi32>
        %lt3A = arith.constant 3 : i32
        %lt3A_68 = vector.broadcast %lt3A : i32 to vector<16xi32>
        %lt3A_69 = arith.cmpi slt, %iota3A, %lt3A_68 : vector<16xi32>
        %jit3A = arith.constant 0.000000e+00 : f32
        %broadcast_in_dim3A = vector.broadcast %squeeze3A : f32 to vector<16xf32>
        %broadcast_in_dim3A_70 = vector.broadcast %jit3A : f32 to vector<16xf32>
        %select_n3A_71 = arith.select %lt3A_69, %broadcast_in_dim3A, %broadcast_in_dim3A_70 : vector<16xi1>, vector<16xf32>
        %mul3A_72 = arith.mulf %get3A_57, %select_n3A_71 : vector<16xf32>
        %swap3A = arith.index_cast %scan3A_54 : i32 to index
        %swap3A_73 = arith.constant 0 : index
        %swap3A_74 = tpu.vector_load %arg9[%swap3A, %swap3A_73] {strides = array<i32>} : memref<80x16xf32, #tpu.memory_space<vmem>>, vector<1x16xf32>,
        %swap3A_75 = vector.shape_cast %swap3A_74 : vector<1x16xf32> to vector<16xf32>
        %swap3A_76 = vector.shape_cast %mul3A_72 : vector<16xf32> to vector<1x16xf32>
        tpu.vector_store %arg9[%swap3A, %swap3A_73], %swap3A_76 {strides = array<i32>} : memref<80x16xf32, #tpu.memory_space<vmem>>, vector<1x16xf32>,
      }
      %scan3A_53 = arith.constant 80 : i32
      "tpu.region"() ({
        %run_scoped3A = tpu.sem_alloc : memref<!tpu.dma_semaphore, #tpu.memory_space<semaphore_mem>>
        %dma_start3A_54 = arith.constant 0 : i32
        %dma_start3A_55 = arith.constant 0 : i32
        %dma_start3A_56 = tpu.memref_slice %arg11[%dma_start3A_54, %dma_start3A_55] : memref<10000x16xf32, #tpu.memory_space<vmem_shared>> -> memref<10000x16xf32, #tpu.memory_space<vmem_shared>>
        tpu.enqueue_indirect_dma source(%arg9 : memref<80x16xf32, #tpu.memory_space<vmem>>) target(%dma_start3A_56 : memref<10000x16xf32, #tpu.memory_space<vmem_shared>>) offsets(%arg8 : memref<80xi32, #tpu.memory_space<vmem>>) semaphore(%run_scoped3A : memref<!tpu.dma_semaphore, #tpu.memory_space<semaphore_mem>>) {add = true}
        %dma_wait3A_57 = arith.constant 0 : i32
        %dma_wait3A_58 = arith.constant 0 : i32
        %dma_wait3A_59 = tpu.memref_slice %arg11[%dma_wait3A_57, %dma_wait3A_58] : memref<10000x16xf32, #tpu.memory_space<vmem_shared>> -> memref<10000x16xf32, #tpu.memory_space<vmem_shared>>
        tpu.wait_indirect_dma semaphore(%run_scoped3A : memref<!tpu.dma_semaphore, #tpu.memory_space<semaphore_mem>>) src(%arg9 : memref<80x16xf32, #tpu.memory_space<vmem>>) dst(%dma_wait3A_59 : memref<10000x16xf32, #tpu.memory_space<vmem_shared>>)
        tpu.yield
      }) : () -> ()
    }
    %scan3A_21 = arith.constant 125 : i32
    %barrier3A_22 = arith.constant 0 : index
    tpu.barrier barrier_id(%barrier3A_22)
    %scan3A_23 = arith.constant 0 : i32
    %scan3A_24 = arith.constant 0 : i32
    %scan3A_25 = arith.constant 8 : i32
    %scan3A_26 = arith.addi %scan3A_24, %scan3A_25 : i32
    %scan3A_27 = arith.constant 1 : i32
    scf.for %scan3A_34 = %scan3A_24 to %scan3A_26 step %scan3A_27  : i32 {
      %mul3A_35 = arith.constant 624 : i32
      %mul3A_36 = arith.muli %arg1, %mul3A_35 : i32
      %mul3A_37 = arith.constant 78 : i32
      %mul3A_38 = arith.muli %scan3A_34, %mul3A_37 : i32
      %add3A_39 = arith.addi %mul3A_36, %mul3A_38 : i32
      "tpu.region"() ({
        %run_scoped3A = tpu.sem_alloc : memref<!tpu.dma_semaphore, #tpu.memory_space<semaphore_mem>>
        %dma_start3A = arith.constant 0 : i32
        %dma_start3A_48 = arith.constant 0 : i32
        %dma_start3A_49 = tpu.memref_slice %arg9[%dma_start3A, %dma_start3A_48] : memref<80x16xf32, #tpu.memory_space<vmem>> -> memref<78x16xf32, #tpu.memory_space<vmem>>
        %dma_start3A_50 = arith.constant 0 : i32
        %dma_start3A_51 = tpu.memref_slice %arg11[%add3A_39, %dma_start3A_50] : memref<10000x16xf32, #tpu.memory_space<vmem_shared>> -> memref<78x16xf32, #tpu.memory_space<vmem_shared>>
        %dma_start3A_52 = arith.constant 0 : i32
        %dma_start3A_53 = arith.constant 0 : i32
        %dma_start3A_54 = tpu.memref_slice %arg9[%dma_start3A_52, %dma_start3A_53] : memref<80x16xf32, #tpu.memory_space<vmem>> -> memref<78x16xf32, #tpu.memory_space<vmem>>
        %dma_start3A_55 = arith.constant 0 : i32
        %dma_start3A_56 = tpu.memref_slice %arg11[%add3A_39, %dma_start3A_55] : memref<10000x16xf32, #tpu.memory_space<vmem_shared>> -> memref<78x16xf32, #tpu.memory_space<vmem_shared>>
        tpu.enqueue_dma source(%dma_start3A_56 : memref<78x16xf32, #tpu.memory_space<vmem_shared>>) target(%dma_start3A_54 : memref<78x16xf32, #tpu.memory_space<vmem>>) target_semaphore(%run_scoped3A : memref<!tpu.dma_semaphore, #tpu.memory_space<semaphore_mem>>)
        %dma_wait3A = arith.constant 0 : i32
        %dma_wait3A_57 = arith.constant 0 : i32
        %dma_wait3A_58 = tpu.memref_slice %arg9[%dma_wait3A, %dma_wait3A_57] : memref<80x16xf32, #tpu.memory_space<vmem>> -> memref<78x16xf32, #tpu.memory_space<vmem>>
        %dma_wait3A_59 = arith.constant 0 : i32
        %dma_wait3A_60 = tpu.memref_slice %arg11[%add3A_39, %dma_wait3A_59] : memref<10000x16xf32, #tpu.memory_space<vmem_shared>> -> memref<78x16xf32, #tpu.memory_space<vmem_shared>>
        %dma_wait3A_61 = arith.constant 0 : i32
        %dma_wait3A_62 = arith.constant 0 : i32
        %dma_wait3A_63 = tpu.memref_slice %arg9[%dma_wait3A_61, %dma_wait3A_62] : memref<80x16xf32, #tpu.memory_space<vmem>> -> memref<78x16xf32, #tpu.memory_space<vmem>>
        %dma_wait3A_64 = arith.constant 0 : i32
        %dma_wait3A_65 = tpu.memref_slice %arg11[%add3A_39, %dma_wait3A_64] : memref<10000x16xf32, #tpu.memory_space<vmem_shared>> -> memref<78x16xf32, #tpu.memory_space<vmem_shared>>
        tpu.wait_dma2 semaphore(%run_scoped3A : memref<!tpu.dma_semaphore, #tpu.memory_space<semaphore_mem>>) src(%dma_wait3A_65 : memref<78x16xf32, #tpu.memory_space<vmem_shared>>) dst(%dma_wait3A_63 : memref<78x16xf32, #tpu.memory_space<vmem>>)
        tpu.yield
      }) : () -> ()
      %mul3A_40 = arith.constant 10000 : i32
      %mul3A_41 = arith.muli %arg0, %mul3A_40 : i32
      %mul3A_42 = arith.constant 624 : i32
      %mul3A_43 = arith.muli %arg1, %mul3A_42 : i32
      %add3A_44 = arith.addi %mul3A_41, %mul3A_43 : i32
      %mul3A_45 = arith.constant 78 : i32
      %mul3A_46 = arith.muli %scan3A_34, %mul3A_45 : i32
      %add3A_47 = arith.addi %add3A_44, %mul3A_46 : i32
      "tpu.region"() ({
        %run_scoped3A = tpu.sem_alloc : memref<!tpu.dma_semaphore, #tpu.memory_space<semaphore_mem>>
        %dma_start3A = arith.constant 0 : i32
        %dma_start3A_48 = arith.constant 0 : i32
        %dma_start3A_49 = tpu.memref_slice %arg9[%dma_start3A, %dma_start3A_48] : memref<80x16xf32, #tpu.memory_space<vmem>> -> memref<78x16xf32, #tpu.memory_space<vmem>>
        %dma_start3A_50 = arith.constant 0 : i32
        %dma_start3A_51 = tpu.memref_slice %arg6[%add3A_47, %dma_start3A_50] : memref<20000x16xf32, #tpu.memory_space<hbm>> -> memref<78x16xf32, #tpu.memory_space<hbm>>
        %dma_start3A_52 = arith.constant 0 : i32
        %dma_start3A_53 = tpu.memref_slice %arg6[%add3A_47, %dma_start3A_52] : memref<20000x16xf32, #tpu.memory_space<hbm>> -> memref<78x16xf32, #tpu.memory_space<hbm>>
        %dma_start3A_54 = arith.constant 0 : i32
        %dma_start3A_55 = arith.constant 0 : i32
        %dma_start3A_56 = tpu.memref_slice %arg9[%dma_start3A_54, %dma_start3A_55] : memref<80x16xf32, #tpu.memory_space<vmem>> -> memref<78x16xf32, #tpu.memory_space<vmem>>
        tpu.enqueue_dma source(%dma_start3A_56 : memref<78x16xf32, #tpu.memory_space<vmem>>) target(%dma_start3A_53 : memref<78x16xf32, #tpu.memory_space<hbm>>) target_semaphore(%run_scoped3A : memref<!tpu.dma_semaphore, #tpu.memory_space<semaphore_mem>>)
        %dma_wait3A = arith.constant 0 : i32
        %dma_wait3A_57 = arith.constant 0 : i32
        %dma_wait3A_58 = tpu.memref_slice %arg9[%dma_wait3A, %dma_wait3A_57] : memref<80x16xf32, #tpu.memory_space<vmem>> -> memref<78x16xf32, #tpu.memory_space<vmem>>
        %dma_wait3A_59 = arith.constant 0 : i32
        %dma_wait3A_60 = tpu.memref_slice %arg6[%add3A_47, %dma_wait3A_59] : memref<20000x16xf32, #tpu.memory_space<hbm>> -> memref<78x16xf32, #tpu.memory_space<hbm>>
        %dma_wait3A_61 = arith.constant 0 : i32
        %dma_wait3A_62 = tpu.memref_slice %arg6[%add3A_47, %dma_wait3A_61] : memref<20000x16xf32, #tpu.memory_space<hbm>> -> memref<78x16xf32, #tpu.memory_space<hbm>>
        %dma_wait3A_63 = arith.constant 0 : i32
        %dma_wait3A_64 = arith.constant 0 : i32
        %dma_wait3A_65 = tpu.memref_slice %arg9[%dma_wait3A_63, %dma_wait3A_64] : memref<80x16xf32, #tpu.memory_space<vmem>> -> memref<78x16xf32, #tpu.memory_space<vmem>>
        tpu.wait_dma2 semaphore(%run_scoped3A : memref<!tpu.dma_semaphore, #tpu.memory_space<semaphore_mem>>) src(%dma_wait3A_65 : memref<78x16xf32, #tpu.memory_space<vmem>>) dst(%dma_wait3A_62 : memref<78x16xf32, #tpu.memory_space<hbm>>)
        tpu.yield
      }) : () -> ()
    }
    %scan3A_28 = arith.constant 8 : i32
    %eq3A_29 = arith.constant 15 : i32
    %eq3A_30 = arith.cmpi eq, %arg1, %eq3A_29 : i32
    %convert_element_type3A_31 = arith.extui %eq3A_30 : i1 to i32
    %cond3A_32 = arith.constant 0 : i32
    %cond3A_33 = arith.cmpi ne, %convert_element_type3A_31, %cond3A_32 : i32
    scf.if %cond3A_33 {
      "tpu.region"() ({
        %run_scoped3A = tpu.sem_alloc : memref<!tpu.dma_semaphore, #tpu.memory_space<semaphore_mem>>
        %dma_start3A = arith.constant 0 : i32
        %dma_start3A_38 = arith.constant 0 : i32
        %dma_start3A_39 = tpu.memref_slice %arg9[%dma_start3A, %dma_start3A_38] : memref<80x16xf32, #tpu.memory_space<vmem>> -> memref<16x16xf32, #tpu.memory_space<vmem>>
        %dma_start3A_40 = arith.constant 9984 : i32
        %dma_start3A_41 = arith.constant 0 : i32
        %dma_start3A_42 = tpu.memref_slice %arg11[%dma_start3A_40, %dma_start3A_41] : memref<10000x16xf32, #tpu.memory_space<vmem_shared>> -> memref<16x16xf32, #tpu.memory_space<vmem_shared>>
        %dma_start3A_43 = arith.constant 0 : i32
        %dma_start3A_44 = arith.constant 0 : i32
        %dma_start3A_45 = tpu.memref_slice %arg9[%dma_start3A_43, %dma_start3A_44] : memref<80x16xf32, #tpu.memory_space<vmem>> -> memref<16x16xf32, #tpu.memory_space<vmem>>
        %dma_start3A_46 = arith.constant 9984 : i32
        %dma_start3A_47 = arith.constant 0 : i32
        %dma_start3A_48 = tpu.memref_slice %arg11[%dma_start3A_46, %dma_start3A_47] : memref<10000x16xf32, #tpu.memory_space<vmem_shared>> -> memref<16x16xf32, #tpu.memory_space<vmem_shared>>
        tpu.enqueue_dma source(%dma_start3A_48 : memref<16x16xf32, #tpu.memory_space<vmem_shared>>) target(%dma_start3A_45 : memref<16x16xf32, #tpu.memory_space<vmem>>) target_semaphore(%run_scoped3A : memref<!tpu.dma_semaphore, #tpu.memory_space<semaphore_mem>>)
        %dma_wait3A = arith.constant 0 : i32
        %dma_wait3A_49 = arith.constant 0 : i32
        %dma_wait3A_50 = tpu.memref_slice %arg9[%dma_wait3A, %dma_wait3A_49] : memref<80x16xf32, #tpu.memory_space<vmem>> -> memref<16x16xf32, #tpu.memory_space<vmem>>
        %dma_wait3A_51 = arith.constant 9984 : i32
        %dma_wait3A_52 = arith.constant 0 : i32
        %dma_wait3A_53 = tpu.memref_slice %arg11[%dma_wait3A_51, %dma_wait3A_52] : memref<10000x16xf32, #tpu.memory_space<vmem_shared>> -> memref<16x16xf32, #tpu.memory_space<vmem_shared>>
        %dma_wait3A_54 = arith.constant 0 : i32
        %dma_wait3A_55 = arith.constant 0 : i32
        %dma_wait3A_56 = tpu.memref_slice %arg9[%dma_wait3A_54, %dma_wait3A_55] : memref<80x16xf32, #tpu.memory_space<vmem>> -> memref<16x16xf32, #tpu.memory_space<vmem>>
        %dma_wait3A_57 = arith.constant 9984 : i32
        %dma_wait3A_58 = arith.constant 0 : i32
        %dma_wait3A_59 = tpu.memref_slice %arg11[%dma_wait3A_57, %dma_wait3A_58] : memref<10000x16xf32, #tpu.memory_space<vmem_shared>> -> memref<16x16xf32, #tpu.memory_space<vmem_shared>>
        tpu.wait_dma2 semaphore(%run_scoped3A : memref<!tpu.dma_semaphore, #tpu.memory_space<semaphore_mem>>) src(%dma_wait3A_59 : memref<16x16xf32, #tpu.memory_space<vmem_shared>>) dst(%dma_wait3A_56 : memref<16x16xf32, #tpu.memory_space<vmem>>)
        tpu.yield
      }) : () -> ()
      %mul3A_34 = arith.constant 10000 : i32
      %mul3A_35 = arith.muli %arg0, %mul3A_34 : i32
      %add3A_36 = arith.constant 9984 : i32
      %add3A_37 = arith.addi %mul3A_35, %add3A_36 : i32
      "tpu.region"() ({
        %run_scoped3A = tpu.sem_alloc : memref<!tpu.dma_semaphore, #tpu.memory_space<semaphore_mem>>
        %dma_start3A = arith.constant 0 : i32
        %dma_start3A_38 = arith.constant 0 : i32
        %dma_start3A_39 = tpu.memref_slice %arg9[%dma_start3A, %dma_start3A_38] : memref<80x16xf32, #tpu.memory_space<vmem>> -> memref<16x16xf32, #tpu.memory_space<vmem>>
        %dma_start3A_40 = arith.constant 0 : i32
        %dma_start3A_41 = tpu.memref_slice %arg6[%add3A_37, %dma_start3A_40] : memref<20000x16xf32, #tpu.memory_space<hbm>> -> memref<16x16xf32, #tpu.memory_space<hbm>>
        %dma_start3A_42 = arith.constant 0 : i32
        %dma_start3A_43 = tpu.memref_slice %arg6[%add3A_37, %dma_start3A_42] : memref<20000x16xf32, #tpu.memory_space<hbm>> -> memref<16x16xf32, #tpu.memory_space<hbm>>
        %dma_start3A_44 = arith.constant 0 : i32
        %dma_start3A_45 = arith.constant 0 : i32
        %dma_start3A_46 = tpu.memref_slice %arg9[%dma_start3A_44, %dma_start3A_45] : memref<80x16xf32, #tpu.memory_space<vmem>> -> memref<16x16xf32, #tpu.memory_space<vmem>>
        tpu.enqueue_dma source(%dma_start3A_46 : memref<16x16xf32, #tpu.memory_space<vmem>>) target(%dma_start3A_43 : memref<16x16xf32, #tpu.memory_space<hbm>>) target_semaphore(%run_scoped3A : memref<!tpu.dma_semaphore, #tpu.memory_space<semaphore_mem>>)
        %dma_wait3A = arith.constant 0 : i32
        %dma_wait3A_47 = arith.constant 0 : i32
        %dma_wait3A_48 = tpu.memref_slice %arg9[%dma_wait3A, %dma_wait3A_47] : memref<80x16xf32, #tpu.memory_space<vmem>> -> memref<16x16xf32, #tpu.memory_space<vmem>>
        %dma_wait3A_49 = arith.constant 0 : i32
        %dma_wait3A_50 = tpu.memref_slice %arg6[%add3A_37, %dma_wait3A_49] : memref<20000x16xf32, #tpu.memory_space<hbm>> -> memref<16x16xf32, #tpu.memory_space<hbm>>
        %dma_wait3A_51 = arith.constant 0 : i32
        %dma_wait3A_52 = tpu.memref_slice %arg6[%add3A_37, %dma_wait3A_51] : memref<20000x16xf32, #tpu.memory_space<hbm>> -> memref<16x16xf32, #tpu.memory_space<hbm>>
        %dma_wait3A_53 = arith.constant 0 : i32
        %dma_wait3A_54 = arith.constant 0 : i32
        %dma_wait3A_55 = tpu.memref_slice %arg9[%dma_wait3A_53, %dma_wait3A_54] : memref<80x16xf32, #tpu.memory_space<vmem>> -> memref<16x16xf32, #tpu.memory_space<vmem>>
        tpu.wait_dma2 semaphore(%run_scoped3A : memref<!tpu.dma_semaphore, #tpu.memory_space<semaphore_mem>>) src(%dma_wait3A_55 : memref<16x16xf32, #tpu.memory_space<vmem>>) dst(%dma_wait3A_52 : memref<16x16xf32, #tpu.memory_space<hbm>>)
        tpu.yield
      }) : () -> ()
    } else {
    }
    return
  }
}

module attributes {stable_mosaic.version = 14 : i64} {
  func.func @_prep1_body(%arg0: i32, %arg1: memref<400x128xf32, #tpu.memory_space<vmem>>, %arg2: memref<128x128xf32, #tpu.memory_space<vmem>>, %arg3: memref<1x128xf32, #tpu.memory_space<vmem>>, %arg4: memref<1x128xf32, #tpu.memory_space<vmem>>, %arg5: memref<400x144xf32, #tpu.memory_space<vmem>>, %arg6: memref<400x16xf32, #tpu.memory_space<vmem>>) attributes {dimension_semantics = [#tpu.dimension_semantics<arbitrary>], iteration_bounds = array<i64: 25>, scalar_prefetch = 0 : i64, scratch_operands = 0 : i64, tpu.core_type = #tpu.core_type<tc>, window_params = [{transform_indices = @transform_0, window_bounds = array<i64: 400, 128>}, {pipeline_mode = #tpu.pipeline_mode<synchronous>, transform_indices = @transform_1, window_bounds = array<i64: 128, 128>}, {pipeline_mode = #tpu.pipeline_mode<synchronous>, transform_indices = @transform_2, window_bounds = array<i64: 1, 128>}, {pipeline_mode = #tpu.pipeline_mode<synchronous>, transform_indices = @transform_3, window_bounds = array<i64: 1, 128>}, {transform_indices = @transform_4, window_bounds = array<i64: 400, 144>}, {transform_indices = @transform_5, window_bounds = array<i64: 400, 16>}]} {
    %get3A = arith.constant 0 : index
    %get3A_0 = arith.constant 0 : index
    %get3A_1 = vector.load %arg1[%get3A, %get3A_0] : memref<400x128xf32, #tpu.memory_space<vmem>>, vector<400x128xf32>
    %get3A_2 = arith.constant 0 : index
    %get3A_3 = arith.constant 0 : index
    %get3A_4 = vector.load %arg2[%get3A_2, %get3A_3] : memref<128x128xf32, #tpu.memory_space<vmem>>, vector<128x128xf32>
    %dot_general3A = arith.constant dense<0.000000e+00> : vector<400x128xf32>
    %dot_general3A_5 = tpu.matmul %get3A_1, %get3A_4, %dot_general3A {dimension_numbers = #tpu.dot_dimension_numbers<[1], [0], [0], [1], [0, 0, 1, 1], [], []>, transpose_lhs_hint = false} : vector<400x128xf32>, vector<128x128xf32>, vector<400x128xf32> -> vector<400x128xf32>
    %swap3A = arith.constant 0 : index
    %swap3A_6 = arith.constant 0 : index
    %swap3A_7 = vector.load %arg5[%swap3A, %swap3A_6] : memref<400x144xf32, #tpu.memory_space<vmem>>, vector<400x128xf32>
    tpu.vector_store %arg5[%swap3A, %swap3A_6], %dot_general3A_5 {strides = array<i32>} : memref<400x144xf32, #tpu.memory_space<vmem>>, vector<400x128xf32>,
    %broadcast_in_dim3A = arith.constant 1.000000e+00 : f32
    %broadcast_in_dim3A_8 = vector.broadcast %broadcast_in_dim3A : f32 to vector<400x4xf32>
    %swap3A_9 = arith.constant 0 : index
    %swap3A_10 = arith.constant 128 : index
    %swap3A_11 = vector.load %arg5[%swap3A_9, %swap3A_10] : memref<400x144xf32, #tpu.memory_space<vmem>>, vector<400x4xf32>
    tpu.vector_store %arg5[%swap3A_9, %swap3A_10], %broadcast_in_dim3A_8 {strides = array<i32>} : memref<400x144xf32, #tpu.memory_space<vmem>>, vector<400x4xf32>,
    %broadcast_in_dim3A_12 = arith.constant 0.000000e+00 : f32
    %broadcast_in_dim3A_13 = vector.broadcast %broadcast_in_dim3A_12 : f32 to vector<400x8xf32>
    %swap3A_14 = arith.constant 0 : index
    %swap3A_15 = arith.constant 136 : index
    %swap3A_16 = vector.load %arg5[%swap3A_14, %swap3A_15] : memref<400x144xf32, #tpu.memory_space<vmem>>, vector<400x8xf32>
    tpu.vector_store %arg5[%swap3A_14, %swap3A_15], %broadcast_in_dim3A_13 {strides = array<i32>} : memref<400x144xf32, #tpu.memory_space<vmem>>, vector<400x8xf32>,
    %get3A_17 = arith.constant 0 : index
    %get3A_18 = arith.constant 0 : index
    %get3A_19 = vector.load %arg3[%get3A_17, %get3A_18] : memref<1x128xf32, #tpu.memory_space<vmem>>, vector<1x128xf32>
    %mul3A = vector.broadcast %get3A_19 : vector<1x128xf32> to vector<400x128xf32>
    %mul3A_20 = arith.mulf %dot_general3A_5, %mul3A : vector<400x128xf32>
    %get3A_21 = arith.constant 0 : index
    %get3A_22 = arith.constant 0 : index
    %get3A_23 = vector.load %arg4[%get3A_21, %get3A_22] : memref<1x128xf32, #tpu.memory_space<vmem>>, vector<1x128xf32>
    %mul3A_24 = vector.broadcast %get3A_23 : vector<1x128xf32> to vector<400x128xf32>
    %mul3A_25 = arith.mulf %dot_general3A_5, %mul3A_24 : vector<400x128xf32>
    %broadcast_in_dim3A_26 = arith.constant 0.000000e+00 : f32
    %broadcast_in_dim3A_27 = vector.broadcast %broadcast_in_dim3A_26 : f32 to vector<400x4xf32>
    %swap3A_28 = arith.constant 0 : index
    %swap3A_29 = arith.constant 0 : index
    %swap3A_30 = vector.load %arg6[%swap3A_28, %swap3A_29] : memref<400x16xf32, #tpu.memory_space<vmem>>, vector<400x4xf32>
    tpu.vector_store %arg6[%swap3A_28, %swap3A_29], %broadcast_in_dim3A_27 {strides = array<i32>} : memref<400x16xf32, #tpu.memory_space<vmem>>, vector<400x4xf32>,
    %broadcast_in_dim3A_31 = arith.constant 0.000000e+00 : f32
    %broadcast_in_dim3A_32 = vector.broadcast %broadcast_in_dim3A_31 : f32 to vector<400x8xf32>
    %swap3A_33 = arith.constant 0 : index
    %swap3A_34 = arith.constant 8 : index
    %swap3A_35 = vector.load %arg6[%swap3A_33, %swap3A_34] : memref<400x16xf32, #tpu.memory_space<vmem>>, vector<400x8xf32>
    tpu.vector_store %arg6[%swap3A_33, %swap3A_34], %broadcast_in_dim3A_32 {strides = array<i32>} : memref<400x16xf32, #tpu.memory_space<vmem>>, vector<400x8xf32>,
    %slice3A = vector.extract_strided_slice %mul3A_20 {offsets = [0, 0], sizes = [400, 32], strides = [1, 1]} : vector<400x128xf32> to vector<400x32xf32>
    %reduce_sum3A = arith.constant dense<0.000000e+00> : vector<400xf32>
    %reduce_sum3A_36 = vector.multi_reduction <add>, %slice3A, %reduce_sum3A [1] : vector<400x32xf32> to vector<400xf32>
    %broadcast_in_dim3A_37 = vector.shape_cast %reduce_sum3A_36 : vector<400xf32> to vector<400x1xf32>
    %swap3A_38 = arith.constant 0 : index
    %swap3A_39 = arith.constant 132 : index
    %swap3A_40 = vector.load %arg5[%swap3A_38, %swap3A_39] : memref<400x144xf32, #tpu.memory_space<vmem>>, vector<400x1xf32>
    tpu.vector_store %arg5[%swap3A_38, %swap3A_39], %broadcast_in_dim3A_37 {strides = array<i32>} : memref<400x144xf32, #tpu.memory_space<vmem>>, vector<400x1xf32>,
    %slice3A_41 = vector.extract_strided_slice %mul3A_25 {offsets = [0, 0], sizes = [400, 32], strides = [1, 1]} : vector<400x128xf32> to vector<400x32xf32>
    %reduce_sum3A_42 = arith.constant dense<0.000000e+00> : vector<400xf32>
    %reduce_sum3A_43 = vector.multi_reduction <add>, %slice3A_41, %reduce_sum3A_42 [1] : vector<400x32xf32> to vector<400xf32>
    %broadcast_in_dim3A_44 = vector.shape_cast %reduce_sum3A_43 : vector<400xf32> to vector<400x1xf32>
    %swap3A_45 = arith.constant 0 : index
    %swap3A_46 = arith.constant 4 : index
    %swap3A_47 = vector.load %arg6[%swap3A_45, %swap3A_46] : memref<400x16xf32, #tpu.memory_space<vmem>>, vector<400x1xf32>
    tpu.vector_store %arg6[%swap3A_45, %swap3A_46], %broadcast_in_dim3A_44 {strides = array<i32>} : memref<400x16xf32, #tpu.memory_space<vmem>>, vector<400x1xf32>,
    %slice3A_48 = vector.extract_strided_slice %mul3A_20 {offsets = [0, 32], sizes = [400, 32], strides = [1, 1]} : vector<400x128xf32> to vector<400x32xf32>
    %reduce_sum3A_49 = arith.constant dense<0.000000e+00> : vector<400xf32>
    %reduce_sum3A_50 = vector.multi_reduction <add>, %slice3A_48, %reduce_sum3A_49 [1] : vector<400x32xf32> to vector<400xf32>
    %broadcast_in_dim3A_51 = vector.shape_cast %reduce_sum3A_50 : vector<400xf32> to vector<400x1xf32>
    %swap3A_52 = arith.constant 0 : index
    %swap3A_53 = arith.constant 133 : index
    %swap3A_54 = vector.load %arg5[%swap3A_52, %swap3A_53] : memref<400x144xf32, #tpu.memory_space<vmem>>, vector<400x1xf32>
    tpu.vector_store %arg5[%swap3A_52, %swap3A_53], %broadcast_in_dim3A_51 {strides = array<i32>} : memref<400x144xf32, #tpu.memory_space<vmem>>, vector<400x1xf32>,
    %slice3A_55 = vector.extract_strided_slice %mul3A_25 {offsets = [0, 32], sizes = [400, 32], strides = [1, 1]} : vector<400x128xf32> to vector<400x32xf32>
    %reduce_sum3A_56 = arith.constant dense<0.000000e+00> : vector<400xf32>
    %reduce_sum3A_57 = vector.multi_reduction <add>, %slice3A_55, %reduce_sum3A_56 [1] : vector<400x32xf32> to vector<400xf32>
    %broadcast_in_dim3A_58 = vector.shape_cast %reduce_sum3A_57 : vector<400xf32> to vector<400x1xf32>
    %swap3A_59 = arith.constant 0 : index
    %swap3A_60 = arith.constant 5 : index
    %swap3A_61 = vector.load %arg6[%swap3A_59, %swap3A_60] : memref<400x16xf32, #tpu.memory_space<vmem>>, vector<400x1xf32>
    tpu.vector_store %arg6[%swap3A_59, %swap3A_60], %broadcast_in_dim3A_58 {strides = array<i32>} : memref<400x16xf32, #tpu.memory_space<vmem>>, vector<400x1xf32>,
    %slice3A_62 = vector.extract_strided_slice %mul3A_20 {offsets = [0, 64], sizes = [400, 32], strides = [1, 1]} : vector<400x128xf32> to vector<400x32xf32>
    %reduce_sum3A_63 = arith.constant dense<0.000000e+00> : vector<400xf32>
    %reduce_sum3A_64 = vector.multi_reduction <add>, %slice3A_62, %reduce_sum3A_63 [1] : vector<400x32xf32> to vector<400xf32>
    %broadcast_in_dim3A_65 = vector.shape_cast %reduce_sum3A_64 : vector<400xf32> to vector<400x1xf32>
    %swap3A_66 = arith.constant 0 : index
    %swap3A_67 = arith.constant 134 : index
    %swap3A_68 = vector.load %arg5[%swap3A_66, %swap3A_67] : memref<400x144xf32, #tpu.memory_space<vmem>>, vector<400x1xf32>
    tpu.vector_store %arg5[%swap3A_66, %swap3A_67], %broadcast_in_dim3A_65 {strides = array<i32>} : memref<400x144xf32, #tpu.memory_space<vmem>>, vector<400x1xf32>,
    %slice3A_69 = vector.extract_strided_slice %mul3A_25 {offsets = [0, 64], sizes = [400, 32], strides = [1, 1]} : vector<400x128xf32> to vector<400x32xf32>
    %reduce_sum3A_70 = arith.constant dense<0.000000e+00> : vector<400xf32>
    %reduce_sum3A_71 = vector.multi_reduction <add>, %slice3A_69, %reduce_sum3A_70 [1] : vector<400x32xf32> to vector<400xf32>
    %broadcast_in_dim3A_72 = vector.shape_cast %reduce_sum3A_71 : vector<400xf32> to vector<400x1xf32>
    %swap3A_73 = arith.constant 0 : index
    %swap3A_74 = arith.constant 6 : index
    %swap3A_75 = vector.load %arg6[%swap3A_73, %swap3A_74] : memref<400x16xf32, #tpu.memory_space<vmem>>, vector<400x1xf32>
    tpu.vector_store %arg6[%swap3A_73, %swap3A_74], %broadcast_in_dim3A_72 {strides = array<i32>} : memref<400x16xf32, #tpu.memory_space<vmem>>, vector<400x1xf32>,
    %slice3A_76 = vector.extract_strided_slice %mul3A_20 {offsets = [0, 96], sizes = [400, 32], strides = [1, 1]} : vector<400x128xf32> to vector<400x32xf32>
    %reduce_sum3A_77 = arith.constant dense<0.000000e+00> : vector<400xf32>
    %reduce_sum3A_78 = vector.multi_reduction <add>, %slice3A_76, %reduce_sum3A_77 [1] : vector<400x32xf32> to vector<400xf32>
    %broadcast_in_dim3A_79 = vector.shape_cast %reduce_sum3A_78 : vector<400xf32> to vector<400x1xf32>
    %swap3A_80 = arith.constant 0 : index
    %swap3A_81 = arith.constant 135 : index
    %swap3A_82 = vector.load %arg5[%swap3A_80, %swap3A_81] : memref<400x144xf32, #tpu.memory_space<vmem>>, vector<400x1xf32>
    tpu.vector_store %arg5[%swap3A_80, %swap3A_81], %broadcast_in_dim3A_79 {strides = array<i32>} : memref<400x144xf32, #tpu.memory_space<vmem>>, vector<400x1xf32>,
    %slice3A_83 = vector.extract_strided_slice %mul3A_25 {offsets = [0, 96], sizes = [400, 32], strides = [1, 1]} : vector<400x128xf32> to vector<400x32xf32>
    %reduce_sum3A_84 = arith.constant dense<0.000000e+00> : vector<400xf32>
    %reduce_sum3A_85 = vector.multi_reduction <add>, %slice3A_83, %reduce_sum3A_84 [1] : vector<400x32xf32> to vector<400xf32>
    %broadcast_in_dim3A_86 = vector.shape_cast %reduce_sum3A_85 : vector<400xf32> to vector<400x1xf32>
    %swap3A_87 = arith.constant 0 : index
    %swap3A_88 = arith.constant 7 : index
    %swap3A_89 = vector.load %arg6[%swap3A_87, %swap3A_88] : memref<400x16xf32, #tpu.memory_space<vmem>>, vector<400x1xf32>
    tpu.vector_store %arg6[%swap3A_87, %swap3A_88], %broadcast_in_dim3A_86 {strides = array<i32>} : memref<400x16xf32, #tpu.memory_space<vmem>>, vector<400x1xf32>,
    return
  }
  func.func @transform_0(%arg0: i32) -> (i32, i32) {
    %c0_i32 = arith.constant 0 : i32
    %c0_i32_0 = arith.constant 0 : i32
    return %arg0, %c0_i32 : i32, i32
  }
  func.func @transform_1(%arg0: i32) -> (i32, i32) {
    %c0_i32 = arith.constant 0 : i32
    %c0_i32_0 = arith.constant 0 : i32
    %c0_i32_1 = arith.constant 0 : i32
    return %c0_i32, %c0_i32_0 : i32, i32
  }
  func.func @transform_2(%arg0: i32) -> (i32, i32) {
    %c0_i32 = arith.constant 0 : i32
    %c0_i32_0 = arith.constant 0 : i32
    %c0_i32_1 = arith.constant 0 : i32
    return %c0_i32, %c0_i32_0 : i32, i32
  }
  func.func @transform_3(%arg0: i32) -> (i32, i32) {
    %c0_i32 = arith.constant 0 : i32
    %c0_i32_0 = arith.constant 0 : i32
    %c0_i32_1 = arith.constant 0 : i32
    return %c0_i32, %c0_i32_0 : i32, i32
  }
  func.func @transform_4(%arg0: i32) -> (i32, i32) {
    %c0_i32 = arith.constant 0 : i32
    %c0_i32_0 = arith.constant 0 : i32
    return %arg0, %c0_i32 : i32, i32
  }
  func.func @transform_5(%arg0: i32) -> (i32, i32) {
    %c0_i32 = arith.constant 0 : i32
    %c0_i32_0 = arith.constant 0 : i32
    return %arg0, %c0_i32 : i32, i32
  }
}

module attributes {stable_mosaic.version = 14 : i64} {
  func.func @_fin1_body(%arg0: i32, %arg1: memref<400x144xf32, #tpu.memory_space<vmem>>, %arg2: memref<400x144xf32, #tpu.memory_space<vmem>>, %arg3: memref<400x144xf32, #tpu.memory_space<vmem>>, %arg4: memref<400x16xf32, #tpu.memory_space<vmem>>, %arg5: memref<1x128xf32, #tpu.memory_space<vmem>>, %arg6: memref<128x2xf32, #tpu.memory_space<vmem>>, %arg7: memref<1x2xf32, #tpu.memory_space<vmem>>, %arg8: memref<1x2xf32, #tpu.memory_space<vmem>>, %arg9: memref<400x16xf32, #tpu.memory_space<vmem>>, %arg10: memref<400x16xf32, #tpu.memory_space<vmem>>) attributes {dimension_semantics = [#tpu.dimension_semantics<arbitrary>], iteration_bounds = array<i64: 25>, scalar_prefetch = 0 : i64, scratch_operands = 0 : i64, tpu.core_type = #tpu.core_type<tc>, window_params = [{transform_indices = @transform_0, window_bounds = array<i64: 400, 144>}, {transform_indices = @transform_1, window_bounds = array<i64: 400, 144>}, {transform_indices = @transform_2, window_bounds = array<i64: 400, 144>}, {transform_indices = @transform_3, window_bounds = array<i64: 400, 16>}, {pipeline_mode = #tpu.pipeline_mode<synchronous>, transform_indices = @transform_4, window_bounds = array<i64: 1, 128>}, {pipeline_mode = #tpu.pipeline_mode<synchronous>, transform_indices = @transform_5, window_bounds = array<i64: 128, 2>}, {pipeline_mode = #tpu.pipeline_mode<synchronous>, transform_indices = @transform_6, window_bounds = array<i64: 1, 2>}, {pipeline_mode = #tpu.pipeline_mode<synchronous>, transform_indices = @transform_7, window_bounds = array<i64: 1, 2>}, {transform_indices = @transform_8, window_bounds = array<i64: 400, 16>}, {transform_indices = @transform_9, window_bounds = array<i64: 400, 16>}]} {
    %get3A = arith.constant 0 : index
    %get3A_0 = arith.constant 132 : index
    %get3A_1 = vector.load %arg3[%get3A, %get3A_0] : memref<400x144xf32, #tpu.memory_space<vmem>>, vector<400x4xf32>
    %get3A_2 = arith.constant 0 : index
    %get3A_3 = arith.constant 4 : index
    %get3A_4 = vector.load %arg4[%get3A_2, %get3A_3] : memref<400x16xf32, #tpu.memory_space<vmem>>, vector<400x4xf32>
    %add3A = arith.addf %get3A_1, %get3A_4 : vector<400x4xf32>
    %gt3A = arith.constant 0.000000e+00 : f32
    %gt3A_5 = vector.broadcast %gt3A : f32 to vector<400x4xf32>
    %gt3A_6 = arith.cmpf ogt, %add3A, %gt3A_5 : vector<400x4xf32>
    %mul3A = arith.constant 2.000000e-01 : f32
    %mul3A_7 = vector.broadcast %mul3A : f32 to vector<400x4xf32>
    %mul3A_8 = arith.mulf %mul3A_7, %add3A : vector<400x4xf32>
    %select_n3A = arith.select %gt3A_6, %add3A, %mul3A_8 : vector<400x4xi1>, vector<400x4xf32>
    %exp3A = math.exp %select_n3A : vector<400x4xf32>
    %get3A_9 = arith.constant 0 : index
    %get3A_10 = arith.constant 0 : index
    %get3A_11 = vector.load %arg3[%get3A_9, %get3A_10] : memref<400x144xf32, #tpu.memory_space<vmem>>, vector<400x128xf32>
    %slice3A = vector.extract_strided_slice %exp3A {offsets = [0, 0], sizes = [400, 1], strides = [1, 1]} : vector<400x4xf32> to vector<400x1xf32>
    %broadcast_in_dim3A = vector.shape_cast %slice3A : vector<400x1xf32> to vector<400x1xf32>
    %broadcast_in_dim3A_12 = vector.broadcast %broadcast_in_dim3A : vector<400x1xf32> to vector<400x32xf32>
    %slice3A_13 = vector.extract_strided_slice %exp3A {offsets = [0, 1], sizes = [400, 1], strides = [1, 1]} : vector<400x4xf32> to vector<400x1xf32>
    %broadcast_in_dim3A_14 = vector.shape_cast %slice3A_13 : vector<400x1xf32> to vector<400x1xf32>
    %broadcast_in_dim3A_15 = vector.broadcast %broadcast_in_dim3A_14 : vector<400x1xf32> to vector<400x32xf32>
    %slice3A_16 = vector.extract_strided_slice %exp3A {offsets = [0, 2], sizes = [400, 1], strides = [1, 1]} : vector<400x4xf32> to vector<400x1xf32>
    %broadcast_in_dim3A_17 = vector.shape_cast %slice3A_16 : vector<400x1xf32> to vector<400x1xf32>
    %broadcast_in_dim3A_18 = vector.broadcast %broadcast_in_dim3A_17 : vector<400x1xf32> to vector<400x32xf32>
    %slice3A_19 = vector.extract_strided_slice %exp3A {offsets = [0, 3], sizes = [400, 1], strides = [1, 1]} : vector<400x4xf32> to vector<400x1xf32>
    %broadcast_in_dim3A_20 = vector.shape_cast %slice3A_19 : vector<400x1xf32> to vector<400x1xf32>
    %broadcast_in_dim3A_21 = vector.broadcast %broadcast_in_dim3A_20 : vector<400x1xf32> to vector<400x32xf32>
    %concatenate3A = tpu.concatenate %broadcast_in_dim3A_12, %broadcast_in_dim3A_15, %broadcast_in_dim3A_18, %broadcast_in_dim3A_21 in 1 : vector<400x32xf32>, vector<400x32xf32>, vector<400x32xf32>, vector<400x32xf32> -> vector<400x128xf32>
    %get3A_22 = arith.constant 0 : index
    %get3A_23 = arith.constant 0 : index
    %get3A_24 = vector.load %arg1[%get3A_22, %get3A_23] : memref<400x144xf32, #tpu.memory_space<vmem>>, vector<400x128xf32>
    %get3A_25 = arith.constant 0 : index
    %get3A_26 = arith.constant 0 : index
    %get3A_27 = vector.load %arg2[%get3A_25, %get3A_26] : memref<400x144xf32, #tpu.memory_space<vmem>>, vector<400x128xf32>
    %add3A_28 = arith.addf %get3A_24, %get3A_27 : vector<400x128xf32>
    %mul3A_29 = arith.mulf %concatenate3A, %get3A_11 : vector<400x128xf32>
    %add3A_30 = arith.addf %add3A_28, %mul3A_29 : vector<400x128xf32>
    %get3A_31 = arith.constant 0 : index
    %get3A_32 = arith.constant 128 : index
    %get3A_33 = vector.load %arg1[%get3A_31, %get3A_32] : memref<400x144xf32, #tpu.memory_space<vmem>>, vector<400x4xf32>
    %get3A_34 = arith.constant 0 : index
    %get3A_35 = arith.constant 128 : index
    %get3A_36 = vector.load %arg2[%get3A_34, %get3A_35] : memref<400x144xf32, #tpu.memory_space<vmem>>, vector<400x4xf32>
    %add3A_37 = arith.addf %get3A_33, %get3A_36 : vector<400x4xf32>
    %add3A_38 = arith.addf %add3A_37, %exp3A : vector<400x4xf32>
    %slice3A_39 = vector.extract_strided_slice %add3A_38 {offsets = [0, 0], sizes = [400, 1], strides = [1, 1]} : vector<400x4xf32> to vector<400x1xf32>
    %broadcast_in_dim3A_40 = vector.shape_cast %slice3A_39 : vector<400x1xf32> to vector<400x1xf32>
    %broadcast_in_dim3A_41 = vector.broadcast %broadcast_in_dim3A_40 : vector<400x1xf32> to vector<400x32xf32>
    %slice3A_42 = vector.extract_strided_slice %add3A_38 {offsets = [0, 1], sizes = [400, 1], strides = [1, 1]} : vector<400x4xf32> to vector<400x1xf32>
    %broadcast_in_dim3A_43 = vector.shape_cast %slice3A_42 : vector<400x1xf32> to vector<400x1xf32>
    %broadcast_in_dim3A_44 = vector.broadcast %broadcast_in_dim3A_43 : vector<400x1xf32> to vector<400x32xf32>
    %slice3A_45 = vector.extract_strided_slice %add3A_38 {offsets = [0, 2], sizes = [400, 1], strides = [1, 1]} : vector<400x4xf32> to vector<400x1xf32>
    %broadcast_in_dim3A_46 = vector.shape_cast %slice3A_45 : vector<400x1xf32> to vector<400x1xf32>
    %broadcast_in_dim3A_47 = vector.broadcast %broadcast_in_dim3A_46 : vector<400x1xf32> to vector<400x32xf32>
    %slice3A_48 = vector.extract_strided_slice %add3A_38 {offsets = [0, 3], sizes = [400, 1], strides = [1, 1]} : vector<400x4xf32> to vector<400x1xf32>
    %broadcast_in_dim3A_49 = vector.shape_cast %slice3A_48 : vector<400x1xf32> to vector<400x1xf32>
    %broadcast_in_dim3A_50 = vector.broadcast %broadcast_in_dim3A_49 : vector<400x1xf32> to vector<400x32xf32>
    %concatenate3A_51 = tpu.concatenate %broadcast_in_dim3A_41, %broadcast_in_dim3A_44, %broadcast_in_dim3A_47, %broadcast_in_dim3A_50 in 1 : vector<400x32xf32>, vector<400x32xf32>, vector<400x32xf32>, vector<400x32xf32> -> vector<400x128xf32>
    %div3A = arith.divf %add3A_30, %concatenate3A_51 : vector<400x128xf32>
    %get3A_52 = arith.constant 0 : index
    %get3A_53 = arith.constant 0 : index
    %get3A_54 = vector.load %arg5[%get3A_52, %get3A_53] : memref<1x128xf32, #tpu.memory_space<vmem>>, vector<1x128xf32>
    %add3A_55 = vector.broadcast %get3A_54 : vector<1x128xf32> to vector<400x128xf32>
    %add3A_56 = arith.addf %div3A, %add3A_55 : vector<400x128xf32>
    %gt3A_57 = arith.constant 0.000000e+00 : f32
    %gt3A_58 = vector.broadcast %gt3A_57 : f32 to vector<400x128xf32>
    %gt3A_59 = arith.cmpf ogt, %add3A_56, %gt3A_58 : vector<400x128xf32>
    %exp3A_60 = math.exp %add3A_56 : vector<400x128xf32>
    %sub3A = arith.constant 1.000000e+00 : f32
    %sub3A_61 = vector.broadcast %sub3A : f32 to vector<400x128xf32>
    %sub3A_62 = arith.subf %exp3A_60, %sub3A_61 : vector<400x128xf32>
    %select_n3A_63 = arith.select %gt3A_59, %add3A_56, %sub3A_62 : vector<400x128xi1>, vector<400x128xf32>
    %get3A_64 = arith.constant 0 : index
    %get3A_65 = arith.constant 0 : index
    %get3A_66 = vector.load %arg6[%get3A_64, %get3A_65] : memref<128x2xf32, #tpu.memory_space<vmem>>, vector<128x2xf32>
    %dot_general3A = arith.constant dense<0.000000e+00> : vector<400x2xf32>
    %dot_general3A_67 = tpu.matmul %select_n3A_63, %get3A_66, %dot_general3A {dimension_numbers = #tpu.dot_dimension_numbers<[1], [0], [0], [1], [0, 0, 1, 1], [], []>, transpose_lhs_hint = false} : vector<400x128xf32>, vector<128x2xf32>, vector<400x2xf32> -> vector<400x2xf32>
    %swap3A = arith.constant 0 : index
    %swap3A_68 = arith.constant 0 : index
    %swap3A_69 = vector.load %arg9[%swap3A, %swap3A_68] : memref<400x16xf32, #tpu.memory_space<vmem>>, vector<400x2xf32>
    tpu.vector_store %arg9[%swap3A, %swap3A_68], %dot_general3A_67 {strides = array<i32>} : memref<400x16xf32, #tpu.memory_space<vmem>>, vector<400x2xf32>,
    %broadcast_in_dim3A_70 = arith.constant 1.000000e+00 : f32
    %broadcast_in_dim3A_71 = vector.broadcast %broadcast_in_dim3A_70 : f32 to vector<400x1xf32>
    %swap3A_72 = arith.constant 0 : index
    %swap3A_73 = arith.constant 2 : index
    %swap3A_74 = vector.load %arg9[%swap3A_72, %swap3A_73] : memref<400x16xf32, #tpu.memory_space<vmem>>, vector<400x1xf32>
    tpu.vector_store %arg9[%swap3A_72, %swap3A_73], %broadcast_in_dim3A_71 {strides = array<i32>} : memref<400x16xf32, #tpu.memory_space<vmem>>, vector<400x1xf32>,
    %get3A_75 = arith.constant 0 : index
    %get3A_76 = arith.constant 0 : index
    %get3A_77 = vector.load %arg7[%get3A_75, %get3A_76] : memref<1x2xf32, #tpu.memory_space<vmem>>, vector<1x2xf32>
    %mul3A_78 = vector.broadcast %get3A_77 : vector<1x2xf32> to vector<400x2xf32>
    %mul3A_79 = arith.mulf %dot_general3A_67, %mul3A_78 : vector<400x2xf32>
    %reduce_sum3A = arith.constant dense<0.000000e+00> : vector<400xf32>
    %reduce_sum3A_80 = vector.multi_reduction <add>, %mul3A_79, %reduce_sum3A [1] : vector<400x2xf32> to vector<400xf32>
    %broadcast_in_dim3A_81 = vector.shape_cast %reduce_sum3A_80 : vector<400xf32> to vector<400x1xf32>
    %swap3A_82 = arith.constant 0 : index
    %swap3A_83 = arith.constant 3 : index
    %swap3A_84 = vector.load %arg9[%swap3A_82, %swap3A_83] : memref<400x16xf32, #tpu.memory_space<vmem>>, vector<400x1xf32>
    tpu.vector_store %arg9[%swap3A_82, %swap3A_83], %broadcast_in_dim3A_81 {strides = array<i32>} : memref<400x16xf32, #tpu.memory_space<vmem>>, vector<400x1xf32>,
    %broadcast_in_dim3A_85 = arith.constant 0.000000e+00 : f32
    %broadcast_in_dim3A_86 = vector.broadcast %broadcast_in_dim3A_85 : f32 to vector<400x12xf32>
    %swap3A_87 = arith.constant 0 : index
    %swap3A_88 = arith.constant 4 : index
    %swap3A_89 = vector.load %arg9[%swap3A_87, %swap3A_88] : memref<400x16xf32, #tpu.memory_space<vmem>>, vector<400x12xf32>
    tpu.vector_store %arg9[%swap3A_87, %swap3A_88], %broadcast_in_dim3A_86 {strides = array<i32>} : memref<400x16xf32, #tpu.memory_space<vmem>>, vector<400x12xf32>,
    %broadcast_in_dim3A_90 = arith.constant 0.000000e+00 : f32
    %broadcast_in_dim3A_91 = vector.broadcast %broadcast_in_dim3A_90 : f32 to vector<400x3xf32>
    %swap3A_92 = arith.constant 0 : index
    %swap3A_93 = arith.constant 0 : index
    %swap3A_94 = vector.load %arg10[%swap3A_92, %swap3A_93] : memref<400x16xf32, #tpu.memory_space<vmem>>, vector<400x3xf32>
    tpu.vector_store %arg10[%swap3A_92, %swap3A_93], %broadcast_in_dim3A_91 {strides = array<i32>} : memref<400x16xf32, #tpu.memory_space<vmem>>, vector<400x3xf32>,
    %get3A_95 = arith.constant 0 : index
    %get3A_96 = arith.constant 0 : index
    %get3A_97 = vector.load %arg8[%get3A_95, %get3A_96] : memref<1x2xf32, #tpu.memory_space<vmem>>, vector<1x2xf32>
    %mul3A_98 = vector.broadcast %get3A_97 : vector<1x2xf32> to vector<400x2xf32>
    %mul3A_99 = arith.mulf %dot_general3A_67, %mul3A_98 : vector<400x2xf32>
    %reduce_sum3A_100 = arith.constant dense<0.000000e+00> : vector<400xf32>
    %reduce_sum3A_101 = vector.multi_reduction <add>, %mul3A_99, %reduce_sum3A_100 [1] : vector<400x2xf32> to vector<400xf32>
    %broadcast_in_dim3A_102 = vector.shape_cast %reduce_sum3A_101 : vector<400xf32> to vector<400x1xf32>
    %swap3A_103 = arith.constant 0 : index
    %swap3A_104 = arith.constant 3 : index
    %swap3A_105 = vector.load %arg10[%swap3A_103, %swap3A_104] : memref<400x16xf32, #tpu.memory_space<vmem>>, vector<400x1xf32>
    tpu.vector_store %arg10[%swap3A_103, %swap3A_104], %broadcast_in_dim3A_102 {strides = array<i32>} : memref<400x16xf32, #tpu.memory_space<vmem>>, vector<400x1xf32>,
    %broadcast_in_dim3A_106 = arith.constant 0.000000e+00 : f32
    %broadcast_in_dim3A_107 = vector.broadcast %broadcast_in_dim3A_106 : f32 to vector<400x12xf32>
    %swap3A_108 = arith.constant 0 : index
    %swap3A_109 = arith.constant 4 : index
    %swap3A_110 = vector.load %arg10[%swap3A_108, %swap3A_109] : memref<400x16xf32, #tpu.memory_space<vmem>>, vector<400x12xf32>
    tpu.vector_store %arg10[%swap3A_108, %swap3A_109], %broadcast_in_dim3A_107 {strides = array<i32>} : memref<400x16xf32, #tpu.memory_space<vmem>>, vector<400x12xf32>,
    return
  }
  func.func @transform_0(%arg0: i32) -> (i32, i32) {
    %c0_i32 = arith.constant 0 : i32
    %c0_i32_0 = arith.constant 0 : i32
    return %arg0, %c0_i32 : i32, i32
  }
  func.func @transform_1(%arg0: i32) -> (i32, i32) {
    %add3A = arith.constant 25 : i32
    %add3A_0 = arith.addi %arg0, %add3A : i32
    %c0_i32 = arith.constant 0 : i32
    %c0_i32_1 = arith.constant 0 : i32
    return %add3A_0, %c0_i32 : i32, i32
  }
  func.func @transform_2(%arg0: i32) -> (i32, i32) {
    %c0_i32 = arith.constant 0 : i32
    %c0_i32_0 = arith.constant 0 : i32
    return %arg0, %c0_i32 : i32, i32
  }
  func.func @transform_3(%arg0: i32) -> (i32, i32) {
    %c0_i32 = arith.constant 0 : i32
    %c0_i32_0 = arith.constant 0 : i32
    return %arg0, %c0_i32 : i32, i32
  }
  func.func @transform_4(%arg0: i32) -> (i32, i32) {
    %c0_i32 = arith.constant 0 : i32
    %c0_i32_0 = arith.constant 0 : i32
    %c0_i32_1 = arith.constant 0 : i32
    return %c0_i32, %c0_i32_0 : i32, i32
  }
  func.func @transform_5(%arg0: i32) -> (i32, i32) {
    %c0_i32 = arith.constant 0 : i32
    %c0_i32_0 = arith.constant 0 : i32
    %c0_i32_1 = arith.constant 0 : i32
    return %c0_i32, %c0_i32_0 : i32, i32
  }
  func.func @transform_6(%arg0: i32) -> (i32, i32) {
    %c0_i32 = arith.constant 0 : i32
    %c0_i32_0 = arith.constant 0 : i32
    %c0_i32_1 = arith.constant 0 : i32
    return %c0_i32, %c0_i32_0 : i32, i32
  }
  func.func @transform_7(%arg0: i32) -> (i32, i32) {
    %c0_i32 = arith.constant 0 : i32
    %c0_i32_0 = arith.constant 0 : i32
    %c0_i32_1 = arith.constant 0 : i32
    return %c0_i32, %c0_i32_0 : i32, i32
  }
  func.func @transform_8(%arg0: i32) -> (i32, i32) {
    %c0_i32 = arith.constant 0 : i32
    %c0_i32_0 = arith.constant 0 : i32
    return %arg0, %c0_i32 : i32, i32
  }
  func.func @transform_9(%arg0: i32) -> (i32, i32) {
    %c0_i32 = arith.constant 0 : i32
    %c0_i32_0 = arith.constant 0 : i32
    return %arg0, %c0_i32 : i32, i32
  }
}

module attributes {stable_mosaic.version = 14 : i64} {
  func.func @_fin2_body(%arg0: i32, %arg1: memref<400x16xf32, #tpu.memory_space<vmem>>, %arg2: memref<400x16xf32, #tpu.memory_space<vmem>>, %arg3: memref<400x16xf32, #tpu.memory_space<vmem>>, %arg4: memref<400x16xf32, #tpu.memory_space<vmem>>, %arg5: memref<1x2xf32, #tpu.memory_space<vmem>>, %arg6: memref<400x2xf32, #tpu.memory_space<vmem>>) attributes {dimension_semantics = [#tpu.dimension_semantics<arbitrary>], iteration_bounds = array<i64: 25>, scalar_prefetch = 0 : i64, scratch_operands = 0 : i64, tpu.core_type = #tpu.core_type<tc>, window_params = [{transform_indices = @transform_0, window_bounds = array<i64: 400, 16>}, {transform_indices = @transform_1, window_bounds = array<i64: 400, 16>}, {transform_indices = @transform_2, window_bounds = array<i64: 400, 16>}, {transform_indices = @transform_3, window_bounds = array<i64: 400, 16>}, {pipeline_mode = #tpu.pipeline_mode<synchronous>, transform_indices = @transform_4, window_bounds = array<i64: 1, 2>}, {transform_indices = @transform_5, window_bounds = array<i64: 400, 2>}]} {
    %get3A = arith.constant 0 : index
    %get3A_0 = arith.constant 3 : index
    %get3A_1 = vector.load %arg3[%get3A, %get3A_0] : memref<400x16xf32, #tpu.memory_space<vmem>>, vector<400x1xf32>
    %get3A_2 = arith.constant 0 : index
    %get3A_3 = arith.constant 3 : index
    %get3A_4 = vector.load %arg4[%get3A_2, %get3A_3] : memref<400x16xf32, #tpu.memory_space<vmem>>, vector<400x1xf32>
    %add3A = arith.addf %get3A_1, %get3A_4 : vector<400x1xf32>
    %gt3A = arith.constant 0.000000e+00 : f32
    %gt3A_5 = vector.broadcast %gt3A : f32 to vector<400x1xf32>
    %gt3A_6 = arith.cmpf ogt, %add3A, %gt3A_5 : vector<400x1xf32>
    %mul3A = arith.constant 2.000000e-01 : f32
    %mul3A_7 = vector.broadcast %mul3A : f32 to vector<400x1xf32>
    %mul3A_8 = arith.mulf %mul3A_7, %add3A : vector<400x1xf32>
    %select_n3A = arith.select %gt3A_6, %add3A, %mul3A_8 : vector<400x1xi1>, vector<400x1xf32>
    %exp3A = math.exp %select_n3A : vector<400x1xf32>
    %get3A_9 = arith.constant 0 : index
    %get3A_10 = arith.constant 0 : index
    %get3A_11 = vector.load %arg1[%get3A_9, %get3A_10] : memref<400x16xf32, #tpu.memory_space<vmem>>, vector<400x2xf32>
    %get3A_12 = arith.constant 0 : index
    %get3A_13 = arith.constant 0 : index
    %get3A_14 = vector.load %arg2[%get3A_12, %get3A_13] : memref<400x16xf32, #tpu.memory_space<vmem>>, vector<400x2xf32>
    %add3A_15 = arith.addf %get3A_11, %get3A_14 : vector<400x2xf32>
    %get3A_16 = arith.constant 0 : index
    %get3A_17 = arith.constant 0 : index
    %get3A_18 = vector.load %arg3[%get3A_16, %get3A_17] : memref<400x16xf32, #tpu.memory_space<vmem>>, vector<400x2xf32>
    %mul3A_19 = vector.broadcast %exp3A : vector<400x1xf32> to vector<400x2xf32>
    %mul3A_20 = arith.mulf %mul3A_19, %get3A_18 : vector<400x2xf32>
    %add3A_21 = arith.addf %add3A_15, %mul3A_20 : vector<400x2xf32>
    %get3A_22 = arith.constant 0 : index
    %get3A_23 = arith.constant 2 : index
    %get3A_24 = vector.load %arg1[%get3A_22, %get3A_23] : memref<400x16xf32, #tpu.memory_space<vmem>>, vector<400x1xf32>
    %get3A_25 = arith.constant 0 : index
    %get3A_26 = arith.constant 2 : index
    %get3A_27 = vector.load %arg2[%get3A_25, %get3A_26] : memref<400x16xf32, #tpu.memory_space<vmem>>, vector<400x1xf32>
    %add3A_28 = arith.addf %get3A_24, %get3A_27 : vector<400x1xf32>
    %add3A_29 = arith.addf %add3A_28, %exp3A : vector<400x1xf32>
    %div3A = vector.broadcast %add3A_29 : vector<400x1xf32> to vector<400x2xf32>
    %div3A_30 = arith.divf %add3A_21, %div3A : vector<400x2xf32>
    %get3A_31 = arith.constant 0 : index
    %get3A_32 = arith.constant 0 : index
    %get3A_33 = vector.load %arg5[%get3A_31, %get3A_32] : memref<1x2xf32, #tpu.memory_space<vmem>>, vector<1x2xf32>
    %add3A_34 = vector.broadcast %get3A_33 : vector<1x2xf32> to vector<400x2xf32>
    %add3A_35 = arith.addf %div3A_30, %add3A_34 : vector<400x2xf32>
    %reduce_max3A = arith.constant dense<0xFF800000> : vector<400xf32>
    %reduce_max3A_36 = vector.multi_reduction <maximumf>, %add3A_35, %reduce_max3A [1] : vector<400x2xf32> to vector<400xf32>
    %broadcast_in_dim3A = vector.shape_cast %reduce_max3A_36 : vector<400xf32> to vector<400x1xf32>
    %sub3A = vector.broadcast %broadcast_in_dim3A : vector<400x1xf32> to vector<400x2xf32>
    %sub3A_37 = arith.subf %add3A_35, %sub3A : vector<400x2xf32>
    %exp3A_38 = math.exp %sub3A_37 : vector<400x2xf32>
    %sub3A_39 = vector.broadcast %broadcast_in_dim3A : vector<400x1xf32> to vector<400x2xf32>
    %sub3A_40 = arith.subf %add3A_35, %sub3A_39 : vector<400x2xf32>
    %reduce_sum3A = arith.constant dense<0.000000e+00> : vector<400xf32>
    %reduce_sum3A_41 = vector.multi_reduction <add>, %exp3A_38, %reduce_sum3A [1] : vector<400x2xf32> to vector<400xf32>
    %broadcast_in_dim3A_42 = vector.shape_cast %reduce_sum3A_41 : vector<400xf32> to vector<400x1xf32>
    %log3A = math.log %broadcast_in_dim3A_42 : vector<400x1xf32>
    %sub3A_43 = vector.broadcast %log3A : vector<400x1xf32> to vector<400x2xf32>
    %sub3A_44 = arith.subf %sub3A_40, %sub3A_43 : vector<400x2xf32>
    %swap3A = arith.constant 0 : index
    %swap3A_45 = arith.constant 0 : index
    %swap3A_46 = vector.load %arg6[%swap3A, %swap3A_45] : memref<400x2xf32, #tpu.memory_space<vmem>>, vector<400x2xf32>
    tpu.vector_store %arg6[%swap3A, %swap3A_45], %sub3A_44 {strides = array<i32>} : memref<400x2xf32, #tpu.memory_space<vmem>>, vector<400x2xf32>,
    return
  }
  func.func @transform_0(%arg0: i32) -> (i32, i32) {
    %c0_i32 = arith.constant 0 : i32
    %c0_i32_0 = arith.constant 0 : i32
    return %arg0, %c0_i32 : i32, i32
  }
  func.func @transform_1(%arg0: i32) -> (i32, i32) {
    %add3A = arith.constant 25 : i32
    %add3A_0 = arith.addi %arg0, %add3A : i32
    %c0_i32 = arith.constant 0 : i32
    %c0_i32_1 = arith.constant 0 : i32
    return %add3A_0, %c0_i32 : i32, i32
  }
  func.func @transform_2(%arg0: i32) -> (i32, i32) {
    %c0_i32 = arith.constant 0 : i32
    %c0_i32_0 = arith.constant 0 : i32
    return %arg0, %c0_i32 : i32, i32
  }
  func.func @transform_3(%arg0: i32) -> (i32, i32) {
    %c0_i32 = arith.constant 0 : i32
    %c0_i32_0 = arith.constant 0 : i32
    return %arg0, %c0_i32 : i32, i32
  }
  func.func @transform_4(%arg0: i32) -> (i32, i32) {
    %c0_i32 = arith.constant 0 : i32
    %c0_i32_0 = arith.constant 0 : i32
    %c0_i32_1 = arith.constant 0 : i32
    return %c0_i32, %c0_i32_0 : i32, i32
  }
  func.func @transform_5(%arg0: i32) -> (i32, i32) {
    %c0_i32 = arith.constant 0 : i32
    %c0_i32_0 = arith.constant 0 : i32
    return %arg0, %c0_i32 : i32, i32
  }
}

</mosaic_0001>

<sc_bundles>
// kernel: kernel.10.cloned.1.call-start
scs
__scs_entry_jumppad:
0x0: {  	(pc) =	sbr.rel $0x88, $3  }
0x1: {  	(tag) =	ssettag $0x0;
	lr =	simm.s32 $0x1  }
0x2: {  	[smem:$0x3F97] =	sst lr;
	_ =	strace $0xD0000000  }
0x3: {  	_ = 	snop  }
0x4: {  	_ = 	snop  }
0x5: {  	_ = 	snop  }
0x6: {  	_ = 	snop  }
0x7: {  	_ = 	snop  }
__scs_overlays_trampoline_lowered:
0x8: {  	[smem:$0x3FA6] =	sst s0  }
0x9: {  	[smem:$0x3FA7] =	sst s1  }
0xa: {  	[smem:$0x3FA8] =	sst s2  }
0xb: {  	[smem:$0x3FA9] =	sst s3  }
0xc: {  	[smem:$0x3FAA] =	sst s4  }
0xd: {  	[smem:$0x3FAB] =	sst s5  }
0xe: {  	[smem:$0x3FAC] =	sst s6  }
0xf: {  	[smem:$0x3FAD] =	sst s7  }
0x10: {  	[smem:$0x3FAE] =	sst s8  }
0x11: {  	[smem:$0x3FAF] =	sst s9;
	s0 =	simm.s32 @!p0 $0x0  }
0x12: {  	s1 =	sld [smem:$0x3F95];
	s0 =	simm.s32 @p0 $0x1  }
0x13: {  	[smem:$0x3FB0] =	sst s0;
	s0 =	simm.s32 @!p1 $0x0  }
0x14: {  	s2 =	sld [smem:$0x3F94];
	s0 =	simm.s32 @p1 $0x1  }
0x15: {  	[smem:$0x3FB1] =	sst s0;
	s0 =	simm.s32 @!p2 $0x0  }
0x16: {  	s3 =	sld [smem:$0x3FDB];
	s0 =	simm.s32 @p2 $0x1  }
0x17: {  	s4 =	simm.s32 $0x1BF5;
	[smem:$0x3FB3] =	sst s0  }
0x18: {  	s0 =	sld [smem:$0x3F96];
	_ =	swait.ge [sflag:s4], $0x0  }
0x19: {  	s7 =	sld [smem:$0x3F97]  }
0x1a: {  	s8 =	sadd.s32 $0xFFFFE003, lr  }
0x1b: {  	s9 =	sadd.s32 $0xFFFFFEF7, lr;
	s5 =	simm.s32 $0xFFFFFFFF;
	p2 =	slt.u32 s8, $0xFFFFF086  }
0x1c: {  	p1 =	slt.u32 s9, $0xF7A;
	s5 =	simm.s32 @!p2 $0x0  }
0x1d: {  	s5 =	simm.s32 @p1 $0x1;
	p0 =	seq.s32 s7, s2  }
0x1e: {  	s7 =	smul.u32 @!p0 $0xF7A, s2;
	p2 =	seq.s32 @!p0 s5, $0x0  }
0x1f: {  	s9 =	smul.u32 $0xF7A, s1;
	s8 =	simm.s32 @!p0 $0x1BF5;
	p2 =	por !p2, p0  }
0x20: {  	[sflag:s8] =	ssyncset.s32 @!p0 $0xFFFFF086;
	s6 =	sadd.s32 @!p0 s3, s7;
	s7 =	simm.s32 @!p0 $0x108  }
0x21: {  	s3 =	sadd.s32 s3, s9;
	s6 =	sadd.s32 @!p0 $0x88, s6;
	s7 =	simm.s32 @p2 $0x1082  }
0x22: {  	[simem:s7], [sflag:s8] =	dma.local @!p0 [hbm:s6], $0xF7A  }
0x23: {  	s9 =	sor.u32 $0xD0000000, s2;
	s6 =	simm.s32 $0x108;
	_ =	swait.ge @!p0 [sflag:s8], $0x0  }
0x24: {  	s3 =	sadd.s32 $0x88, s3;
	s6 =	simm.s32 @!p1 $0x1082;
	[sflag:s4] =	ssyncset.s32 $0xFFFFF086  }
0x25: {  	[simem:s6], [sflag:s4] =	dma.local [hbm:s3], $0xF7A  }
0x26: {  	[smem:$0x3F97] =	sst s1;
	(tag) =	ssettag s2;
	_ =	strace s9  }
0x27: {  	s1 =	sld [smem:$0x3FA7]  }
0x28: {  	s2 =	sld [smem:$0x3FA8]  }
0x29: {  	s4 =	sld [smem:$0x3FAA]  }
0x2a: {  	p0 =	seq.s32 s5, $0x0;
	s5 =	sld [smem:$0x3FAB]  }
0x2b: {  	s6 =	sld [smem:$0x3FAC]  }
0x2c: {  	s7 =	sld [smem:$0x3FAD]  }
0x2d: {  	s3 =	simm.s32 $0x108;
	s8 =	sld [smem:$0x3FAE]  }
0x2e: {  	s3 =	simm.s32 @!p0 $0x1082;
	s9 =	sld [smem:$0x3FAF]  }
0x2f: {  	lr =	sadd.s32 s0, s3;
	s0 =	sld [smem:$0x3FA6]  }
0x30: {  	s3 =	sld [smem:$0x3FA9]  }
0x31: {  	[smem:$0x3FB2] =	sst s10  }
0x32: {  	s10 =	sld [smem:$0x3FB0];
	_ =	sdelay $0x3  }
0x33: {  	p0 =	seq.s32 s10, $0x1;
	s10 =	sld [smem:$0x3FB2];
	_ =	sdelay $0x3  }
0x34: {  	[smem:$0x3FB2] =	sst s10  }
0x35: {  	s10 =	sld [smem:$0x3FB1];
	_ =	sdelay $0x3  }
0x36: {  	p1 =	seq.s32 s10, $0x1;
	s10 =	sld [smem:$0x3FB2];
	_ =	sdelay $0x3  }
0x37: {  	[smem:$0x3FB2] =	sst s10  }
0x38: {  	s10 =	sld [smem:$0x3FB3]  }
0x39: {  	_ = 	snop;
	(pc) =	sbr.ind lr, $3  }
0x3a: {  	_ = 	snop  }
0x3b: {  	_ = 	snop  }
0x3c: {  	p2 =	seq.s32 s10, $0x1;
	s10 =	sld [smem:$0x3FB2]  }
0x3d: {  	_ =	shalt  }
0x3e: {  	_ =	shalt  }
0x3f: {  	_ =	shalt  }
0x40: {  	_ =	shalt  }
0x41: {  	_ =	shalt  }
0x42: {  	_ =	shalt  }
0x43: {  	_ =	shalt  }
0x44: {  	_ =	shalt  }
0x45: {  	_ =	shalt  }
0x46: {  	_ =	shalt  }
0x47: {  	_ =	shalt  }
0x48: {  	_ =	shalt  }
0x49: {  	_ =	shalt  }
0x4a: {  	_ =	shalt  }
0x4b: {  	_ =	shalt  }
0x4c: {  	_ =	shalt  }
0x4d: {  	_ =	shalt  }
0x4e: {  	_ =	shalt  }
0x4f: {  	_ =	shalt  }
0x50: {  	_ =	shalt  }
0x51: {  	_ =	shalt  }
0x52: {  	_ =	shalt  }
0x53: {  	_ =	shalt  }
0x54: {  	_ =	shalt  }
0x55: {  	_ =	shalt  }
0x56: {  	_ =	shalt  }
0x57: {  	_ =	shalt  }
0x58: {  	_ =	shalt  }
0x59: {  	_ =	shalt  }
0x5a: {  	_ =	shalt  }
0x5b: {  	_ =	shalt  }
0x5c: {  	_ =	shalt  }
0x5d: {  	_ =	shalt  }
0x5e: {  	_ =	shalt  }
0x5f: {  	_ =	shalt  }
0x60: {  	_ =	shalt  }
0x61: {  	_ =	shalt  }
0x62: {  	_ =	shalt  }
0x63: {  	_ =	shalt  }
0x64: {  	_ =	shalt  }
0x65: {  	_ =	shalt  }
0x66: {  	_ =	shalt  }
0x67: {  	_ =	shalt  }
0x68: {  	_ =	shalt  }
0x69: {  	_ =	shalt  }
0x6a: {  	_ =	shalt  }
0x6b: {  	_ =	shalt  }
0x6c: {  	_ =	shalt  }
0x6d: {  	_ =	shalt  }
0x6e: {  	_ =	shalt  }
0x6f: {  	_ =	shalt  }
0x70: {  	_ =	shalt  }
0x71: {  	_ =	shalt  }
0x72: {  	_ =	shalt  }
0x73: {  	_ =	shalt  }
0x74: {  	_ =	shalt  }
0x75: {  	_ =	shalt  }
0x76: {  	_ =	shalt  }
0x77: {  	_ =	shalt  }
0x78: {  	_ =	shalt  }
0x79: {  	_ =	shalt  }
0x7a: {  	_ =	shalt  }
0x7b: {  	_ =	shalt  }
0x7c: {  	_ =	shalt  }
0x7d: {  	_ =	shalt  }
0x7e: {  	_ =	shalt  }
0x7f: {  	_ =	shalt  }
0x80: {  	_ =	shalt  }
0x81: {  	_ =	shalt  }
0x82: {  	_ =	shalt  }
0x83: {  	_ =	shalt  }
0x84: {  	_ =	shalt  }
0x85: {  	_ =	shalt  }
0x86: {  	_ =	shalt  }
0x87: {  	_ =	shalt  }
.Lfunc_end0:
.L_simem_size_0:
called_computation.1_lowered:
.L_overlay_start_0:
0x88: {  	s2 =	sld [smem:$0x3FD9]  }
0x89: {  	s3 =	sld [smem:$0x3FFE];
	_ =	sdelay $0x1  }
0x8a: {  	s1 =	srdreg.scid  }
0x8b: {  	s0 =	sand.u32 $0x1, s1  }
0x8c: {  	s16 =	sshll.u32 s0, $0xA;
	s2 =	sadd.s32 s3, s2  }
0x8d: {  	s2 =	sadd.s32 s2, s16  }
0x8e: {  	[smem:$0x3FBE] =	sst s2  }
0x8f: {  	_ = 	snop  }
0x90: {  	(tm) =	ssettm $0x1  }
0x91: {  	s17 =	sld [smem:$0x3FFB];
	_ =	sdelay $0x3  }
0x92: {  	_ =	strace s17  }
0x93: {  	s2 =	sld [smem:$0x3FFC];
	_ =	sdelay $0x3  }
0x94: {  	_ =	strace s2  }
0x95: {  	s2 =	sld [smem:$0x3FFD];
	_ =	sdelay $0x3  }
0x96: {  	_ =	strace s2  }
0x97: {  	_ =	strace $0x8FFFFFFF  }
0x98: {  	s18 =	sld [smem:$0x3FDB];
	_ =	sdelay $0x1  }
0x99: {  	s19 =	simm.s32 $_scs_section_size  }
0x9a: {  	s4 =	simm.s32 $_size__tile_overlayer_lowered;
	s5 =	simm.s32 $_tile_overlayer_lowered  }
0x9b: {  	s22 =	simm.s32 $0x1BFF;
	s21 =	sshll.u32 s5, $0x1;
	s2 =	sadd.s32 s19, s18  }
0x9c: {  	s6 =	simm.s32 $0x0;
	s20 =	sshll.u32 s4, $0x1;
	s4 =	sadd.s32 s21, s2  }
0x9d: {  	[timem:s6], [sflag:s22] =	dma.local [hbm:s4], s20  }
0x9e: {  	_ =	swait.ge [sflag:s22], s20  }
0x9f: {  	s3 =	ssub.s32 $0x0, s20;
	[sflag:s22] =	ssyncset.done $0x0  }
0xa0: {  	[sflag:s22] =	ssyncadd.s32 s3;
	_ =	sdelay $0x1  }
0xa1: {  	s23 =	simm.s32 $0x1B8B  }
0xa2: {  	_ =	swait.ge [sflag:s23], $0x1  }
0xa3: {  	[sflag:s23] =	ssyncset.done $0x0  }
0xa4: {  	s25 =	simm.s32 $0x1B8E;
	s24 =	sld [smem:$0x3FFE];
	[sflag:s23] =	ssyncadd.s32 $0xFFFFFFFF  }
0xa5: {  	s26 =	simm.s32 $execute0_lowered;
	[smem:$0x3FD2] =	sst s25  }
0xa6: {  	s4 =	sshll.u32 s26, $0x1;
	_ =	strace $0x80000049;
	[dreg:$0x1] =	wrdreg $0xFFFFFFFF  }
0xa7: {  	s28 =	simm.s32 $_size_execute0_lowered;
	s2 =	sadd.s32 s2, s4;
	[dreg:$0x0] =	wrdreg $0x0  }
0xa8: {  	s4 =	sshll.u32 s28, $0x1;
	[dreg:$0x2] =	wrdreg s2  }
0xa9: {  	[dreg:$0x3] =	wrdreg s4  }
0xaa: {  	[dreg:$0x4] =	wrdreg $0xC0  }
0xab: {  	_ =	task [dreg:s6], $0x5FFFF  }
0xac: {  	[dreg:$0x1] =	wrdreg $0xFFFFFFFF  }
0xad: {  	[dreg:$0x0] =	wrdreg $0x60  }
0xae: {  	[dreg:$0x2] =	wrdreg s24  }
0xaf: {  	[dreg:$0x3] =	wrdreg $0xAA00  }
0xb0: {  	[dreg:$0x4] =	wrdreg $0x9  }
0xb1: {  	_ =	task.clear_ibuf [dreg:s6], $0x5FFFF;
	_ =	strace $0x90000049  }
0xb2: {  	s29 =	simm.s32 $0x9;
	_ =	strace $0x8000004B  }
0xb3: {  	_ =	swait.ge [sflag:s29], $0x1  }
0xb4: {  	[sflag:s29] =	ssyncadd.s32 $0xFFFFFFFF  }
0xb5: {  	_ =	strace $0x9000004B  }
0xb6: {  	_ =	sfence  }
0xb7: {  	s30 =	sld [smem:$0x0];
	_ =	sdelay $0x2  }
0xb8: {  	s31 =	sshll.u32 s1, $0xD;
	s1 =	sshrl.u32 s1, $0x2  }
0xb9: {  	s3 =	sand.u32 $0x4000, s31;
	s1 =	sadd.s32 s1, s30  }
0xba: {  	s0 =	sor.u32 s3, s0;
	s1 =	sshll.u32 s1, $0x11  }
0xbb: {  	s0 =	sor.u32 s1, s0  }
0xbc: {  	s0 =	sadd.s32 $0x8F2B, s0  }
0xbd: {  	[sflag:s0] =	ssyncadd.remote.s32 $0x1  }
0xbe: {  	_ =	sfence.sel $0xFFFF  }
0xbf: {  	[dreg:$0x0] =	wrdreg $0xFFFFFFFF;
	(pc) =	sbr.abs _section_cstart, $3  }
0xc0: {  	[dreg:$0x1] =	wrdreg $0xFFFFFFFF  }
0xc1: {  	_ =	task.clear_ibuf [dreg:s6], $0x2FFFF;
	_ =	strace $0x9FFFFFFF  }
0xc2: {  	(tm) =	ssettm $0x7FFFFFFF  }
0xc3: {  	_ =	shalt  }
tec
execute0_lowered:
.L_overlay_start_1:
0x0: {  	(tag) =	ssettag $0x1  }
0x1: {  	s0 =	rddreg [dreg:$0x0]  }
0x2: {  	s1 =	rddreg [dreg:$0x1]  }
0x3: {  	s2 =	simm.s32 $0x0;
	s3 =	srdreg.scid;
	s21 =	stileid.u32  }
0x4: {  	s29 =	simm.s32 $0xA0;
	s30 =	simm.s32 $0x3;
	s31 =	simm.s32 $0x50  }
0x5: {  	[smem:$0x7FF] =	sst s2;
	s4 =	sadd.s32 $0xB2200, s0;
	s5 =	sadd.s32 $0xA8400, s0  }
0x6: {  	s6 =	sadd.s32 $0x7000, s0;
	s7 =	sadd.s32 $0x2000, s0;
	s10 =	smul.u32 $0x270, s21  }
0x7: {  	s3 =	sand.u32 $0x1, s3;
	s0 =	sadd.s32 $0xC000, s0;
	s18 =	smul.u32 $0x9C00, s21  }
0x8: {  	p0 =	sne.s32 s21, $0xF;
	_ =	strace $0x8000004A;
	s11 =	smul.u32 $0x2710, s3  }
0x9: {  	s8 =	ssub.s32 $0x2, s3;
	s12 =	sshll.u32 s3, $0x4;
	s3 =	smul.u32 $0x27100, s3  }
0xa: {  	s9 =	sshrl.u32 s8, $0x1;
	s17 =	sor.u32 s21, s12;
	s19 =	sshrl.u32 s18, $0x2  }
0xb: {  	s13 =	ssub.s32 s8, s9;
	s8 =	sadd.s32 $0x27000, s1;
	s9 =	smul.u32 $0x2710, s17  }
0xc: {  	s3 =	sshrl.u32 s3, $0x3;
	s10 =	sadd.s32 s11, s10;
	s12 =	sadd.s32 s19, s1  }
0xd: {  	s11 =	simm.s32 $0x0;
	s3 =	sadd.s32 s0, s3;
	s20 =	smax.u32 s13, $0x1  }
0xe: {  	s13 =	sadd.s32 $0x4E0, s12;
	s14 =	sadd.s32 $0x9C0, s12;
	s15 =	sadd.s32 $0xEA0, s12  }
0xf: {  	s16 =	sadd.s32 $0x1380, s12;
	s17 =	sadd.s32 $0x1860, s12;
	s22 =	sshll.u32 s10, $0x1  }
0x10: {  	s3 =	sadd.s32 $0x4E00, s3;
	[dreg:$0x4] =	wrdreg s20;
	s20 =	sadd.s32 s0, s22  }
0x11: {  	s18 =	sadd.s32 $0x1D40, s12;
	[dreg:$0x3] =	wrdreg s3;
	s0 =	sadd.s32 $0x9C, s20  }
0x12: {  	s19 =	sadd.s32 $0x2220, s12;
	s23 =	sadd.s32 $0x138, s20;
	[dreg:$0x5] =	wrdreg s0  }
0x13: {  	s10 =	simm.s32 $0x2;
	s24 =	sadd.s32 $0x1D4, s20;
	[dreg:$0x6] =	wrdreg s23  }
0x14: {  	s25 =	sadd.s32 $0x270, s20;
	s26 =	sadd.s32 $0x30C, s20;
	[dreg:$0x7] =	wrdreg s24  }
0x15: {  	s28 =	sadd.s32 $0x444, s20;
	s3 =	simm.s32 $0x1;
	[dreg:$0x8] =	wrdreg s25  }
0x16: {  	v0 =	vimm.f32 $0.0e+00;
	vm0 =	vmmov $0x7;
	[dreg:$0x9] =	wrdreg s26;
	s26 =	sadd.s32 $0x3A8, s20;
	s0 =	simm.s32 $0x5A0  }
.LBB2_1:
0x17: {  	s21 =	simm.s32 $0x40;
	s22 =	simm.s32 $0x0  }
.LBB2_2:
0x18: {  	p1 =	sne.s32 s21, $0x13C0;
	[tilespmem:s22+$0xA0] =	vst v0;
	s22 =	smov.u32 s21;
	s21 =	sadd.s32 $0x40, s21  }
.Ltmp0:
0x19: {  	(pc) =	sbr.rel @p1 .LBB2_2-.Ltmp0, $2  }
0x1a: {  	_ =	sdelay $0x2  }
0x1b: {  	s22 =	sshra.s32 s22, $0x2  }
0x1c: {  	[tilespmem:s22+$0xA0] =	vst v0  }
0x1d: {  	[spmem:s12] =	stream.linear.scatter [tilespmem:s29], [sflag:$0x3], $0x4E0, $0x38;
	[tilespmem:$0x31B0] =	vst v63  }
0x1e: {  	_ =	swait.ge [sflag:s30], $0x4E0  }
0x1f: {  	[sflag:s30] =	ssyncset.done $0x0  }
0x20: {  	[sflag:s30] =	ssyncadd.s32 $0xFFFFFB20  }
0x21: {  	[spmem:s13] =	stream.linear.scatter [tilespmem:s29], [sflag:$0x3], $0x4E0, $0x38;
	[tilespmem:$0x31B0] =	vst v63  }
0x22: {  	_ =	swait.ge [sflag:s30], $0x4E0  }
0x23: {  	[sflag:s30] =	ssyncset.done $0x0  }
0x24: {  	[sflag:s30] =	ssyncadd.s32 $0xFFFFFB20  }
0x25: {  	[spmem:s14] =	stream.linear.scatter [tilespmem:s29], [sflag:$0x3], $0x4E0, $0x38;
	[tilespmem:$0x31B0] =	vst v63  }
0x26: {  	_ =	swait.ge [sflag:s30], $0x4E0  }
0x27: {  	[sflag:s30] =	ssyncset.done $0x0  }
0x28: {  	[sflag:s30] =	ssyncadd.s32 $0xFFFFFB20  }
0x29: {  	[spmem:s15] =	stream.linear.scatter [tilespmem:s29], [sflag:$0x3], $0x4E0, $0x38;
	[tilespmem:$0x31B0] =	vst v63  }
0x2a: {  	_ =	swait.ge [sflag:s30], $0x4E0  }
0x2b: {  	[sflag:s30] =	ssyncset.done $0x0  }
0x2c: {  	[sflag:s30] =	ssyncadd.s32 $0xFFFFFB20  }
0x2d: {  	[spmem:s16] =	stream.linear.scatter [tilespmem:s29], [sflag:$0x3], $0x4E0, $0x38;
	[tilespmem:$0x31B0] =	vst v63  }
0x2e: {  	_ =	swait.ge [sflag:s30], $0x4E0  }
0x2f: {  	[sflag:s30] =	ssyncset.done $0x0  }
0x30: {  	[sflag:s30] =	ssyncadd.s32 $0xFFFFFB20  }
0x31: {  	[spmem:s17] =	stream.linear.scatter [tilespmem:s29], [sflag:$0x3], $0x4E0, $0x38;
	[tilespmem:$0x31B0] =	vst v63  }
0x32: {  	_ =	swait.ge [sflag:s30], $0x4E0  }
0x33: {  	[sflag:s30] =	ssyncset.done $0x0  }
0x34: {  	[sflag:s30] =	ssyncadd.s32 $0xFFFFFB20  }
0x35: {  	[spmem:s18] =	stream.linear.scatter [tilespmem:s29], [sflag:$0x3], $0x4E0, $0x38;
	[tilespmem:$0x31B0] =	vst v63  }
0x36: {  	_ =	swait.ge [sflag:s30], $0x4E0  }
0x37: {  	[sflag:s30] =	ssyncset.done $0x0  }
0x38: {  	[sflag:s30] =	ssyncadd.s32 $0xFFFFFB20  }
0x39: {  	[spmem:s19] =	stream.linear.scatter [tilespmem:s29], [sflag:$0x3], $0x4E0, $0x38;
	[tilespmem:$0x31B0] =	vst v63  }
0x3a: {  	_ =	swait.ge [sflag:s30], $0x4E0  }
0x3b: {  	[sflag:s30] =	ssyncset.done $0x0  }
0x3c: {  	s21 =	simm.s32 @!p0 $0xA0;
	[sflag:s30] =	ssyncadd.s32 $0xFFFFFB20  }
0x3d: {  	[spmem:s8] =	stream.linear.scatter @!p0 [tilespmem:s21], [sflag:$0x3], $0x100, $0x38;
	[tilespmem:$0x31B0] =	vst v63  }
0x3e: {  	s21 =	simm.s32 @!p0 $0x3  }
0x3f: {  	_ =	swait.ge @!p0 [sflag:s21], $0x100  }
0x40: {  	[sflag:s21] =	ssyncset.done @!p0 $0x0  }
0x41: {  	[sflag:s21] =	ssyncadd.s32 @!p0 $0xFFFFFF00  }
0x42: {  	s22 =	simm.s32 $0x0;
	s21 =	simm.s32 $0x0;
	[bflag:$0x0] =	sbarrier.arrive $0xFFFF  }
.LBB2_4:
0x43: {  	s23 =	smul.u32 $0x50, s22;
	_ =	sdelay $0x1  }
0x44: {  	s23 =	sadd.s32 s9, s23  }
0x45: {  	s23 =	sshrl.u32 s23, $0x3  }
0x46: {  	s24 =	sadd.s32 s4, s23  }
0x47: {  	[tilespmem:s21], [sflag:$0x3] =	stream.linear.gather [hbm4b:s24+s21], $0x50, $0x38;
	[tilespmem:$0x31B0] =	vst v63  }
0x48: {  	_ =	swait.ge [sflag:s30], $0x50  }
0x49: {  	[sflag:s30] =	ssyncset.done $0x0  }
0x4a: {  	s23 =	sadd.s32 s5, s23;
	[sflag:s30] =	ssyncadd.s32 $0xFFFFFFB0  }
0x4b: {  	[tilespmem:s31], [sflag:$0x3] =	stream.linear.gather [hbm4b:s23+s21], $0x50, $0x38;
	[tilespmem:$0x31B0] =	vst v63  }
0x4c: {  	_ =	swait.ge [sflag:s30], $0x50  }
0x4d: {  	[sflag:s30] =	ssyncset.done $0x0  }
0x4e: {  	[sflag:s30] =	ssyncadd.s32 $0xFFFFFFB0  }
0x4f: {  	[tilespmem:s29], [sflag:$0x1] =	stream.indirect.gather [hbm4b:s6+s31], $0x10, s21, s31, $0xb8;
	[tilespmem:$0x31B0] =	vst v63  }
0x50: {  	_ = 	snop  }
0x51: {  	[tilespmem:s0], [sflag:$0x2] =	stream.indirect.gather [hbm4b:s7+s31], $0x10, s31, s31, $0xb8;
	[tilespmem:$0x31B0] =	vst v63  }
0x52: {  	_ =	swait.ge [sflag:s3], $0x500  }
0x53: {  	[sflag:s3] =	ssyncset.done $0x0  }
0x54: {  	[sflag:s3] =	ssyncadd.s32 $0xFFFFFB00  }
0x55: {  	_ =	swait.ge [sflag:s10], $0x500  }
0x56: {  	[sflag:s10] =	ssyncset.done $0x0  }
0x57: {  	s23 =	simm.s32 $0x0;
	[sflag:s10] =	ssyncadd.s32 $0xFFFFFB00  }
0x58: {  	s24 =	simm.s32 $0x40;
	v1 =	vld [tilespmem:s23+$0x5A0]  }
.LBB2_5:
0x59: {  	p1 =	sne.s32 s24, $0x13C0;
	v2 =	vld [tilespmem:s23+$0xA0];
	_ =	sdelay $0x4  }
0x5a: {  	v1 =	vadd.f32 v1, v2;
	_ =	sdelay $0x1  }
0x5b: {  	v3 =	vmul.f32 $2.000000030e-01, v1  }
0x5c: {  	vm1 =	vgt.f32 v1, $0.0e+00  }
0x5d: {  	v1 =	vsel vm1, v1, v3  }
0x5e: {  	v1 =	vmul.f32 $1.442695020e+00, v1;
	_ =	sdelay $0x1  }
0x5f: {  	(erf) = vpow2.f32 v1;
	_ =	sdelay $0x8  }
0x60: {  	v1 =	vpop (erf)  }
0x61: {  	v1 =	vbroadcast v1, $0x3  }
.Ltmp1:
0x62: {  	(pc) =	sbr.rel @p1 .LBB2_5-.Ltmp1, $4  }
0x63: {  	v1 =	vnsel vm0, $0x0, v1  }
0x64: {  	v2 =	vmul.f32 v1, v2  }
0x65: {  	s25 =	sshra.s32 s24, $0x2  }
0x66: {  	s24 =	sadd.s32 $0x40, s24;
	v1 =	vld [tilespmem:s25+$0x5A0];
	[tilespmem:s23+$0xA0] =	vst v2;
	s23 =	smov.u32 s25  }
0x67: {  	v2 =	vld [tilespmem:s23+$0xA0];
	_ =	sdelay $0x4  }
0x68: {  	v1 =	vadd.f32 v1, v2;
	_ =	sdelay $0x1  }
0x69: {  	v3 =	vmul.f32 $2.000000030e-01, v1  }
0x6a: {  	vm1 =	vgt.f32 v1, $0.0e+00  }
0x6b: {  	v1 =	vsel vm1, v1, v3  }
0x6c: {  	v1 =	vmul.f32 $1.442695020e+00, v1;
	_ =	sdelay $0x1  }
0x6d: {  	(erf) = vpow2.f32 v1;
	_ =	sdelay $0x8  }
0x6e: {  	v1 =	vpop (erf)  }
0x6f: {  	v1 =	vbroadcast v1, $0x3;
	_ =	sdelay $0x1  }
0x70: {  	v1 =	vnsel vm0, $0x0, v1  }
0x71: {  	s22 =	sadd.s32 $0x1, s22;
	v1 =	vmul.f32 v1, v2  }
0x72: {  	p1 =	sne.s32 s22, $0x7D  }
.Ltmp2:
0x73: {  	[tilespmem:s23+$0xA0] =	vst v1;
	(pc) =	sbr.rel @p1 .LBB2_4-.Ltmp2, $4  }
0x74: {  	[spmem:s1] =	stream.indirect.scatter.add.f32 [tilespmem:s29], [sflag:$0x3], $0x10, s31, s31, $0xb8;
	[tilespmem:$0x31B0] =	vst v63  }
0x75: {  	_ =	swait.ge [sflag:s30], $0x500  }
0x76: {  	[sflag:s30] =	ssyncset.done $0x0  }
0x77: {  	[sflag:s30] =	ssyncadd.s32 $0xFFFFFB00  }
0x78: {  	[bflag:$0x0] =	sbarrier.arrive $0xFFFF  }
0x79: {  	[tilespmem:s29], [sflag:$0x3] =	stream.linear.gather [spmem:s12], $0x4E0, $0x38;
	[tilespmem:$0x31B0] =	vst v63  }
0x7a: {  	_ =	swait.ge [sflag:s30], $0x4E0  }
0x7b: {  	[sflag:s30] =	ssyncset.done $0x0  }
0x7c: {  	[sflag:s30] =	ssyncadd.s32 $0xFFFFFB20  }
0x7d: {  	[hbm4b:s20+s2] =	stream.linear.scatter [tilespmem:s29], [sflag:$0x3], $0x4E0, $0x38;
	[tilespmem:$0x31B0] =	vst v63  }
0x7e: {  	_ =	swait.ge [sflag:s30], $0x4E0  }
0x7f: {  	[sflag:s30] =	ssyncset.done $0x0  }
0x80: {  	[sflag:s30] =	ssyncadd.s32 $0xFFFFFB20  }
0x81: {  	[tilespmem:s29], [sflag:$0x3] =	stream.linear.gather [spmem:s13], $0x4E0, $0x38;
	[tilespmem:$0x31B0] =	vst v63  }
0x82: {  	_ =	swait.ge [sflag:s30], $0x4E0  }
0x83: {  	[sflag:s30] =	ssyncset.done $0x0  }
0x84: {  	s21 =	rddreg [dreg:$0x5];
	[sflag:s30] =	ssyncadd.s32 $0xFFFFFB20  }
0x85: {  	[hbm4b:s21+s2] =	stream.linear.scatter [tilespmem:s29], [sflag:$0x3], $0x4E0, $0x38;
	[tilespmem:$0x31B0] =	vst v63  }
0x86: {  	_ =	swait.ge [sflag:s30], $0x4E0  }
0x87: {  	[sflag:s30] =	ssyncset.done $0x0  }
0x88: {  	[sflag:s30] =	ssyncadd.s32 $0xFFFFFB20  }
0x89: {  	[tilespmem:s29], [sflag:$0x3] =	stream.linear.gather [spmem:s14], $0x4E0, $0x38;
	[tilespmem:$0x31B0] =	vst v63  }
0x8a: {  	_ =	swait.ge [sflag:s30], $0x4E0  }
0x8b: {  	[sflag:s30] =	ssyncset.done $0x0  }
0x8c: {  	s25 =	rddreg [dreg:$0x6];
	[sflag:s30] =	ssyncadd.s32 $0xFFFFFB20  }
0x8d: {  	[hbm4b:s25+s2] =	stream.linear.scatter [tilespmem:s29], [sflag:$0x3], $0x4E0, $0x38;
	[tilespmem:$0x31B0] =	vst v63  }
0x8e: {  	_ =	swait.ge [sflag:s30], $0x4E0  }
0x8f: {  	[sflag:s30] =	ssyncset.done $0x0  }
0x90: {  	[sflag:s30] =	ssyncadd.s32 $0xFFFFFB20  }
0x91: {  	[tilespmem:s29], [sflag:$0x3] =	stream.linear.gather [spmem:s15], $0x4E0, $0x38;
	[tilespmem:$0x31B0] =	vst v63  }
0x92: {  	_ =	swait.ge [sflag:s30], $0x4E0  }
0x93: {  	[sflag:s30] =	ssyncset.done $0x0  }
0x94: {  	s22 =	rddreg [dreg:$0x7];
	[sflag:s30] =	ssyncadd.s32 $0xFFFFFB20  }
0x95: {  	[hbm4b:s22+s2] =	stream.linear.scatter [tilespmem:s29], [sflag:$0x3], $0x4E0, $0x38;
	[tilespmem:$0x31B0] =	vst v63  }
0x96: {  	_ =	swait.ge [sflag:s30], $0x4E0  }
0x97: {  	[sflag:s30] =	ssyncset.done $0x0  }
0x98: {  	[sflag:s30] =	ssyncadd.s32 $0xFFFFFB20  }
0x99: {  	[tilespmem:s29], [sflag:$0x3] =	stream.linear.gather [spmem:s16], $0x4E0, $0x38;
	[tilespmem:$0x31B0] =	vst v63  }
0x9a: {  	_ =	swait.ge [sflag:s30], $0x4E0  }
0x9b: {  	[sflag:s30] =	ssyncset.done $0x0  }
0x9c: {  	s23 =	rddreg [dreg:$0x8];
	[sflag:s30] =	ssyncadd.s32 $0xFFFFFB20  }
0x9d: {  	[hbm4b:s23+s2] =	stream.linear.scatter [tilespmem:s29], [sflag:$0x3], $0x4E0, $0x38;
	[tilespmem:$0x31B0] =	vst v63  }
0x9e: {  	_ =	swait.ge [sflag:s30], $0x4E0  }
0x9f: {  	[sflag:s30] =	ssyncset.done $0x0  }
0xa0: {  	[sflag:s30] =	ssyncadd.s32 $0xFFFFFB20  }
0xa1: {  	[tilespmem:s29], [sflag:$0x3] =	stream.linear.gather [spmem:s17], $0x4E0, $0x38;
	[tilespmem:$0x31B0] =	vst v63  }
0xa2: {  	_ =	swait.ge [sflag:s30], $0x4E0  }
0xa3: {  	[sflag:s30] =	ssyncset.done $0x0  }
0xa4: {  	s24 =	rddreg [dreg:$0x9];
	[sflag:s30] =	ssyncadd.s32 $0xFFFFFB20  }
0xa5: {  	[hbm4b:s24+s2] =	stream.linear.scatter [tilespmem:s29], [sflag:$0x3], $0x4E0, $0x38;
	[tilespmem:$0x31B0] =	vst v63  }
0xa6: {  	_ =	swait.ge [sflag:s30], $0x4E0  }
0xa7: {  	[sflag:s30] =	ssyncset.done $0x0  }
0xa8: {  	[sflag:s30] =	ssyncadd.s32 $0xFFFFFB20  }
0xa9: {  	[tilespmem:s29], [sflag:$0x3] =	stream.linear.gather [spmem:s18], $0x4E0, $0x38;
	[tilespmem:$0x31B0] =	vst v63  }
0xaa: {  	_ =	swait.ge [sflag:s30], $0x4E0  }
0xab: {  	[sflag:s30] =	ssyncset.done $0x0  }
0xac: {  	[sflag:s30] =	ssyncadd.s32 $0xFFFFFB20  }
0xad: {  	[hbm4b:s26+s2] =	stream.linear.scatter [tilespmem:s29], [sflag:$0x3], $0x4E0, $0x38;
	[tilespmem:$0x31B0] =	vst v63  }
0xae: {  	_ =	swait.ge [sflag:s30], $0x4E0  }
0xaf: {  	[sflag:s30] =	ssyncset.done $0x0  }
0xb0: {  	[sflag:s30] =	ssyncadd.s32 $0xFFFFFB20  }
0xb1: {  	[tilespmem:s29], [sflag:$0x3] =	stream.linear.gather [spmem:s19], $0x4E0, $0x38;
	[tilespmem:$0x31B0] =	vst v63  }
0xb2: {  	_ =	swait.ge [sflag:s30], $0x4E0  }
0xb3: {  	[sflag:s30] =	ssyncset.done $0x0  }
0xb4: {  	[sflag:s30] =	ssyncadd.s32 $0xFFFFFB20  }
0xb5: {  	[hbm4b:s28+s2] =	stream.linear.scatter [tilespmem:s29], [sflag:$0x3], $0x4E0, $0x38;
	[tilespmem:$0x31B0] =	vst v63  }
0xb6: {  	_ =	swait.ge [sflag:s30], $0x4E0  }
0xb7: {  	[sflag:s30] =	ssyncset.done $0x0  }
0xb8: {  	s21 =	simm.s32 @!p0 $0xA0;
	s22 =	simm.s32 @!p0 $0x3;
	[sflag:s30] =	ssyncadd.s32 $0xFFFFFB20  }
0xb9: {  	[tilespmem:s21], [sflag:$0x3] =	stream.linear.gather @!p0 [spmem:s8], $0x100, $0x38;
	[tilespmem:$0x31B0] =	vst v63  }
0xba: {  	_ =	swait.ge @!p0 [sflag:s22], $0x100  }
0xbb: {  	[sflag:s22] =	ssyncset.done @!p0 $0x0  }
0xbc: {  	s23 =	simm.s32 @!p0 $0x0;
	s24 =	rddreg [dreg:$0x3];
	[sflag:s22] =	ssyncadd.s32 @!p0 $0xFFFFFF00  }
0xbd: {  	[hbm4b:s24+s23] =	stream.linear.scatter @!p0 [tilespmem:s21], [sflag:$0x3], $0x100, $0x38;
	[tilespmem:$0x31B0] =	vst v63  }
0xbe: {  	_ =	swait.ge @!p0 [sflag:s22], $0x100  }
0xbf: {  	s11 =	sadd.s32 $0x1, s11;
	s25 =	rddreg [dreg:$0x4]  }
0xc0: {  	p1 =	sne.s32 s11, s25  }
.Ltmp3:
0xc1: {  	_ = 	snop;
	(pc) =	sbr.rel @p1 .LBB2_1-.Ltmp3, $3  }
0xc2: {  	_ =	sdelay $0x1  }
0xc3: {  	[sflag:s22] =	ssyncset.done @!p0 $0x0  }
0xc4: {  	[sflag:s22] =	ssyncadd.s32 @!p0 $0xFFFFFF00  }
0xc5: {  	_ =	sfence.sel $0x180000  }
0xc6: {  	[bflag:$0x0] =	sbarrier.arrive $0xFFFF  }
0xc7: {  	_ =	strace $0x9000004A  }
0xc8: {  	s0 =	stileid.u32;
	[bflag:$0x2] =	sbarrier.arrive $0xFFFF  }
0xc9: {  	p0 =	sne.s32 s0, $0x0;
	s0 =	rddreg [dreg:$0x2]  }
0xca: {  	s0 =	sadd.s32 @!p0 $0x100000, s0  }
0xcb: {  	[sflag:s0] =	ssyncadd.tile.s32 @!p0 $0x1;
	_ =	shalt  }
.Lfunc_end2:
_tile_overlayer_lowered:
.L_overlay_start_2:
0xcc: {  	(tag) =	ssettag $0x2  }
0xcd: {  	s0 =	rddreg [dreg:$0x0];
	s2 =	stileid.u32  }
0xce: {  	s1 =	rddreg [dreg:$0x1];
	p0 =	sne.s32 s2, $0x0  }
0xcf: {  	s3 =	rddreg [dreg:$0x2];
	[bflag:$0x3] =	sbarrier.arrive $0xFFFF;
	s2 =	simm.s32 @!p0 $0x1C03  }
0xd0: {  	[timem:s3], [sflag:s2] =	dma.local @!p0 [hbm:s0], s1  }
0xd1: {  	s0 =	simm.s32 @!p0 $0x3  }
0xd2: {  	_ =	swait.ge @!p0 [sflag:s0], s1  }
0xd3: {  	s1 =	ssub.s32 @!p0 $0x0, s1;
	[sflag:s0] =	ssyncset.done @!p0 $0x0  }
0xd4: {  	[sflag:s0] =	ssyncadd.s32 @!p0 s1  }
0xd5: {  	[bflag:$0x3] =	sbarrier.arrive $0xFFFF  }
0xd6: {  	_ =	shalt  }

// kernel: kernel.7.cloned.1.call-start
scs
__scs_entry_jumppad:
0x0: {  	(pc) =	sbr.rel $0x88, $3  }
0x1: {  	(tag) =	ssettag $0x0;
	lr =	simm.s32 $0x1  }
0x2: {  	[smem:$0x3F97] =	sst lr;
	_ =	strace $0xD0000000  }
0x3: {  	_ = 	snop  }
0x4: {  	_ = 	snop  }
0x5: {  	_ = 	snop  }
0x6: {  	_ = 	snop  }
0x7: {  	_ = 	snop  }
__scs_overlays_trampoline_lowered:
0x8: {  	[smem:$0x3FA6] =	sst s0  }
0x9: {  	[smem:$0x3FA7] =	sst s1  }
0xa: {  	[smem:$0x3FA8] =	sst s2  }
0xb: {  	[smem:$0x3FA9] =	sst s3  }
0xc: {  	[smem:$0x3FAA] =	sst s4  }
0xd: {  	[smem:$0x3FAB] =	sst s5  }
0xe: {  	[smem:$0x3FAC] =	sst s6  }
0xf: {  	[smem:$0x3FAD] =	sst s7  }
0x10: {  	[smem:$0x3FAE] =	sst s8  }
0x11: {  	[smem:$0x3FAF] =	sst s9;
	s0 =	simm.s32 @!p0 $0x0  }
0x12: {  	s1 =	sld [smem:$0x3F95];
	s0 =	simm.s32 @p0 $0x1  }
0x13: {  	[smem:$0x3FB0] =	sst s0;
	s0 =	simm.s32 @!p1 $0x0  }
0x14: {  	s2 =	sld [smem:$0x3F94];
	s0 =	simm.s32 @p1 $0x1  }
0x15: {  	[smem:$0x3FB1] =	sst s0;
	s0 =	simm.s32 @!p2 $0x0  }
0x16: {  	s3 =	sld [smem:$0x3FDB];
	s0 =	simm.s32 @p2 $0x1  }
0x17: {  	s4 =	simm.s32 $0x1BF5;
	[smem:$0x3FB3] =	sst s0  }
0x18: {  	s0 =	sld [smem:$0x3F96];
	_ =	swait.ge [sflag:s4], $0x0  }
0x19: {  	s7 =	sld [smem:$0x3F97]  }
0x1a: {  	s8 =	sadd.s32 $0xFFFFE003, lr  }
0x1b: {  	s9 =	sadd.s32 $0xFFFFFEF7, lr;
	s5 =	simm.s32 $0xFFFFFFFF;
	p2 =	slt.u32 s8, $0xFFFFF086  }
0x1c: {  	p1 =	slt.u32 s9, $0xF7A;
	s5 =	simm.s32 @!p2 $0x0  }
0x1d: {  	s5 =	simm.s32 @p1 $0x1;
	p0 =	seq.s32 s7, s2  }
0x1e: {  	s7 =	smul.u32 @!p0 $0xF7A, s2;
	p2 =	seq.s32 @!p0 s5, $0x0  }
0x1f: {  	s9 =	smul.u32 $0xF7A, s1;
	s8 =	simm.s32 @!p0 $0x1BF5;
	p2 =	por !p2, p0  }
0x20: {  	[sflag:s8] =	ssyncset.s32 @!p0 $0xFFFFF086;
	s6 =	sadd.s32 @!p0 s3, s7;
	s7 =	simm.s32 @!p0 $0x108  }
0x21: {  	s3 =	sadd.s32 s3, s9;
	s6 =	sadd.s32 @!p0 $0x88, s6;
	s7 =	simm.s32 @p2 $0x1082  }
0x22: {  	[simem:s7], [sflag:s8] =	dma.local @!p0 [hbm:s6], $0xF7A  }
0x23: {  	s9 =	sor.u32 $0xD0000000, s2;
	s6 =	simm.s32 $0x108;
	_ =	swait.ge @!p0 [sflag:s8], $0x0  }
0x24: {  	s3 =	sadd.s32 $0x88, s3;
	s6 =	simm.s32 @!p1 $0x1082;
	[sflag:s4] =	ssyncset.s32 $0xFFFFF086  }
0x25: {  	[simem:s6], [sflag:s4] =	dma.local [hbm:s3], $0xF7A  }
0x26: {  	[smem:$0x3F97] =	sst s1;
	(tag) =	ssettag s2;
	_ =	strace s9  }
0x27: {  	s1 =	sld [smem:$0x3FA7]  }
0x28: {  	s2 =	sld [smem:$0x3FA8]  }
0x29: {  	s4 =	sld [smem:$0x3FAA]  }
0x2a: {  	p0 =	seq.s32 s5, $0x0;
	s5 =	sld [smem:$0x3FAB]  }
0x2b: {  	s6 =	sld [smem:$0x3FAC]  }
0x2c: {  	s7 =	sld [smem:$0x3FAD]  }
0x2d: {  	s3 =	simm.s32 $0x108;
	s8 =	sld [smem:$0x3FAE]  }
0x2e: {  	s3 =	simm.s32 @!p0 $0x1082;
	s9 =	sld [smem:$0x3FAF]  }
0x2f: {  	lr =	sadd.s32 s0, s3;
	s0 =	sld [smem:$0x3FA6]  }
0x30: {  	s3 =	sld [smem:$0x3FA9]  }
0x31: {  	[smem:$0x3FB2] =	sst s10  }
0x32: {  	s10 =	sld [smem:$0x3FB0];
	_ =	sdelay $0x3  }
0x33: {  	p0 =	seq.s32 s10, $0x1;
	s10 =	sld [smem:$0x3FB2];
	_ =	sdelay $0x3  }
0x34: {  	[smem:$0x3FB2] =	sst s10  }
0x35: {  	s10 =	sld [smem:$0x3FB1];
	_ =	sdelay $0x3  }
0x36: {  	p1 =	seq.s32 s10, $0x1;
	s10 =	sld [smem:$0x3FB2];
	_ =	sdelay $0x3  }
0x37: {  	[smem:$0x3FB2] =	sst s10  }
0x38: {  	s10 =	sld [smem:$0x3FB3]  }
0x39: {  	_ = 	snop;
	(pc) =	sbr.ind lr, $3  }
0x3a: {  	_ = 	snop  }
0x3b: {  	_ = 	snop  }
0x3c: {  	p2 =	seq.s32 s10, $0x1;
	s10 =	sld [smem:$0x3FB2]  }
0x3d: {  	_ =	shalt  }
0x3e: {  	_ =	shalt  }
0x3f: {  	_ =	shalt  }
0x40: {  	_ =	shalt  }
0x41: {  	_ =	shalt  }
0x42: {  	_ =	shalt  }
0x43: {  	_ =	shalt  }
0x44: {  	_ =	shalt  }
0x45: {  	_ =	shalt  }
0x46: {  	_ =	shalt  }
0x47: {  	_ =	shalt  }
0x48: {  	_ =	shalt  }
0x49: {  	_ =	shalt  }
0x4a: {  	_ =	shalt  }
0x4b: {  	_ =	shalt  }
0x4c: {  	_ =	shalt  }
0x4d: {  	_ =	shalt  }
0x4e: {  	_ =	shalt  }
0x4f: {  	_ =	shalt  }
0x50: {  	_ =	shalt  }
0x51: {  	_ =	shalt  }
0x52: {  	_ =	shalt  }
0x53: {  	_ =	shalt  }
0x54: {  	_ =	shalt  }
0x55: {  	_ =	shalt  }
0x56: {  	_ =	shalt  }
0x57: {  	_ =	shalt  }
0x58: {  	_ =	shalt  }
0x59: {  	_ =	shalt  }
0x5a: {  	_ =	shalt  }
0x5b: {  	_ =	shalt  }
0x5c: {  	_ =	shalt  }
0x5d: {  	_ =	shalt  }
0x5e: {  	_ =	shalt  }
0x5f: {  	_ =	shalt  }
0x60: {  	_ =	shalt  }
0x61: {  	_ =	shalt  }
0x62: {  	_ =	shalt  }
0x63: {  	_ =	shalt  }
0x64: {  	_ =	shalt  }
0x65: {  	_ =	shalt  }
0x66: {  	_ =	shalt  }
0x67: {  	_ =	shalt  }
0x68: {  	_ =	shalt  }
0x69: {  	_ =	shalt  }
0x6a: {  	_ =	shalt  }
0x6b: {  	_ =	shalt  }
0x6c: {  	_ =	shalt  }
0x6d: {  	_ =	shalt  }
0x6e: {  	_ =	shalt  }
0x6f: {  	_ =	shalt  }
0x70: {  	_ =	shalt  }
0x71: {  	_ =	shalt  }
0x72: {  	_ =	shalt  }
0x73: {  	_ =	shalt  }
0x74: {  	_ =	shalt  }
0x75: {  	_ =	shalt  }
0x76: {  	_ =	shalt  }
0x77: {  	_ =	shalt  }
0x78: {  	_ =	shalt  }
0x79: {  	_ =	shalt  }
0x7a: {  	_ =	shalt  }
0x7b: {  	_ =	shalt  }
0x7c: {  	_ =	shalt  }
0x7d: {  	_ =	shalt  }
0x7e: {  	_ =	shalt  }
0x7f: {  	_ =	shalt  }
0x80: {  	_ =	shalt  }
0x81: {  	_ =	shalt  }
0x82: {  	_ =	shalt  }
0x83: {  	_ =	shalt  }
0x84: {  	_ =	shalt  }
0x85: {  	_ =	shalt  }
0x86: {  	_ =	shalt  }
0x87: {  	_ =	shalt  }
.Lfunc_end0:
.L_simem_size_0:
called_computation_lowered:
.L_overlay_start_0:
0x88: {  	s2 =	sld [smem:$0x3FD9]  }
0x89: {  	s3 =	sld [smem:$0x3FFE];
	_ =	sdelay $0x1  }
0x8a: {  	s1 =	srdreg.scid  }
0x8b: {  	s0 =	sand.u32 $0x1, s1  }
0x8c: {  	s16 =	sshll.u32 s0, $0xA;
	s2 =	sadd.s32 s3, s2  }
0x8d: {  	s2 =	sadd.s32 s2, s16  }
0x8e: {  	[smem:$0x3FBE] =	sst s2  }
0x8f: {  	_ = 	snop  }
0x90: {  	(tm) =	ssettm $0x1  }
0x91: {  	s17 =	sld [smem:$0x3FFB];
	_ =	sdelay $0x3  }
0x92: {  	_ =	strace s17  }
0x93: {  	s2 =	sld [smem:$0x3FFC];
	_ =	sdelay $0x3  }
0x94: {  	_ =	strace s2  }
0x95: {  	s2 =	sld [smem:$0x3FFD];
	_ =	sdelay $0x3  }
0x96: {  	_ =	strace s2  }
0x97: {  	_ =	strace $0x8FFFFFFF  }
0x98: {  	s18 =	sld [smem:$0x3FDB];
	_ =	sdelay $0x1  }
0x99: {  	s19 =	simm.s32 $_scs_section_size  }
0x9a: {  	s4 =	simm.s32 $_size__tile_overlayer_lowered;
	s5 =	simm.s32 $_tile_overlayer_lowered  }
0x9b: {  	s22 =	simm.s32 $0x1BFF;
	s21 =	sshll.u32 s5, $0x1;
	s2 =	sadd.s32 s19, s18  }
0x9c: {  	s6 =	simm.s32 $0x0;
	s20 =	sshll.u32 s4, $0x1;
	s4 =	sadd.s32 s21, s2  }
0x9d: {  	[timem:s6], [sflag:s22] =	dma.local [hbm:s4], s20  }
0x9e: {  	_ =	swait.ge [sflag:s22], s20  }
0x9f: {  	s3 =	ssub.s32 $0x0, s20;
	[sflag:s22] =	ssyncset.done $0x0  }
0xa0: {  	[sflag:s22] =	ssyncadd.s32 s3;
	_ =	sdelay $0x1  }
0xa1: {  	s23 =	simm.s32 $0x1B8B  }
0xa2: {  	_ =	swait.ge [sflag:s23], $0x1  }
0xa3: {  	[sflag:s23] =	ssyncset.done $0x0  }
0xa4: {  	s25 =	simm.s32 $0x1B8E;
	s24 =	sld [smem:$0x3FFE];
	[sflag:s23] =	ssyncadd.s32 $0xFFFFFFFF  }
0xa5: {  	s26 =	simm.s32 $execute0_lowered;
	[smem:$0x3FD2] =	sst s25  }
0xa6: {  	s4 =	sshll.u32 s26, $0x1;
	_ =	strace $0x80000046;
	[dreg:$0x1] =	wrdreg $0xFFFFFFFF  }
0xa7: {  	s28 =	simm.s32 $_size_execute0_lowered;
	s2 =	sadd.s32 s2, s4;
	[dreg:$0x0] =	wrdreg $0x0  }
0xa8: {  	s4 =	sshll.u32 s28, $0x1;
	[dreg:$0x2] =	wrdreg s2  }
0xa9: {  	[dreg:$0x3] =	wrdreg s4  }
0xaa: {  	[dreg:$0x4] =	wrdreg $0xC0  }
0xab: {  	_ =	task [dreg:s6], $0x5FFFF  }
0xac: {  	[dreg:$0x1] =	wrdreg $0xFFFFFFFF  }
0xad: {  	[dreg:$0x0] =	wrdreg $0x60  }
0xae: {  	[dreg:$0x2] =	wrdreg s24  }
0xaf: {  	[dreg:$0x3] =	wrdreg $0x32A00  }
0xb0: {  	[dreg:$0x4] =	wrdreg $0x9  }
0xb1: {  	_ =	task.clear_ibuf [dreg:s6], $0x5FFFF;
	_ =	strace $0x90000046  }
0xb2: {  	s29 =	simm.s32 $0x9;
	_ =	strace $0x80000048  }
0xb3: {  	_ =	swait.ge [sflag:s29], $0x1  }
0xb4: {  	[sflag:s29] =	ssyncadd.s32 $0xFFFFFFFF  }
0xb5: {  	_ =	strace $0x90000048  }
0xb6: {  	_ =	sfence  }
0xb7: {  	s30 =	sld [smem:$0x0];
	_ =	sdelay $0x2  }
0xb8: {  	s31 =	sshll.u32 s1, $0xD;
	s1 =	sshrl.u32 s1, $0x2  }
0xb9: {  	s3 =	sand.u32 $0x4000, s31;
	s1 =	sadd.s32 s1, s30  }
0xba: {  	s0 =	sor.u32 s3, s0;
	s1 =	sshll.u32 s1, $0x11  }
0xbb: {  	s0 =	sor.u32 s1, s0  }
0xbc: {  	s0 =	sadd.s32 $0x8F2B, s0  }
0xbd: {  	[sflag:s0] =	ssyncadd.remote.s32 $0x1  }
0xbe: {  	_ =	sfence.sel $0xFFFF  }
0xbf: {  	[dreg:$0x0] =	wrdreg $0xFFFFFFFF;
	(pc) =	sbr.abs _section_cstart, $3  }
0xc0: {  	[dreg:$0x1] =	wrdreg $0xFFFFFFFF  }
0xc1: {  	_ =	task.clear_ibuf [dreg:s6], $0x2FFFF;
	_ =	strace $0x9FFFFFFF  }
0xc2: {  	(tm) =	ssettm $0x7FFFFFFF  }
0xc3: {  	_ =	shalt  }
tec
execute0_lowered:
.L_overlay_start_1:
0x0: {  	(tag) =	ssettag $0x1  }
0x1: {  	s0 =	rddreg [dreg:$0x0]  }
0x2: {  	s1 =	rddreg [dreg:$0x1];
	s2 =	simm.s32 $0x0  }
0x3: {  	s3 =	srdreg.scid;
	s21 =	stileid.u32;
	s29 =	simm.s32 $0xA0  }
0x4: {  	s30 =	simm.s32 $0x3;
	s31 =	simm.s32 $0x50;
	[smem:$0x7FF] =	sst s2  }
0x5: {  	s4 =	sadd.s32 $0xB2200, s0;
	s5 =	sadd.s32 $0xA8400, s0;
	s6 =	sadd.s32 $0x77400, s0  }
0x6: {  	s7 =	sadd.s32 $0xA3400, s0;
	s3 =	sand.u32 $0x1, s3;
	s10 =	smul.u32 $0x270, s21  }
0x7: {  	s0 =	sadd.s32 $0xBC000, s0;
	s17 =	smul.u32 $0x57C00, s21;
	p0 =	sne.s32 s21, $0xF  }
0x8: {  	_ =	strace $0x80000047;
	s8 =	ssub.s32 $0x2, s3;
	s11 =	smul.u32 $0x2710, s3  }
0x9: {  	s12 =	sshll.u32 s3, $0x4;
	s3 =	smul.u32 $0x15F900, s3;
	s9 =	sshrl.u32 s8, $0x1  }
0xa: {  	s16 =	sor.u32 s21, s12;
	s18 =	sshrl.u32 s17, $0x2;
	s13 =	ssub.s32 s8, s9  }
0xb: {  	s8 =	sadd.s32 $0x15F000, s1;
	s9 =	smul.u32 $0x2710, s16;
	s3 =	sshrl.u32 s3, $0x3  }
0xc: {  	s10 =	sadd.s32 s11, s10;
	s12 =	sadd.s32 s18, s1;
	s11 =	simm.s32 $0x0  }
0xd: {  	s3 =	sadd.s32 s0, s3;
	s19 =	smax.u32 s13, $0x1;
	s20 =	smul.u32 $0x12, s10  }
0xe: {  	s13 =	sadd.s32 $0x2BE0, s12;
	s14 =	sadd.s32 $0x57C0, s12;
	s15 =	sadd.s32 $0x83A0, s12  }
0xf: {  	s3 =	sadd.s32 $0x2BE00, s3;
	[dreg:$0x4] =	wrdreg s19;
	s20 =	sadd.s32 s0, s20  }
0x10: {  	s16 =	sadd.s32 $0xAF80, s12;
	[dreg:$0x3] =	wrdreg s3;
	s0 =	sadd.s32 $0x57C, s20  }
0x11: {  	s17 =	sadd.s32 $0xDB60, s12;
	s22 =	sadd.s32 $0xAF8, s20;
	[dreg:$0x5] =	wrdreg s0  }
0x12: {  	s18 =	sadd.s32 $0x10740, s12;
	s23 =	sadd.s32 $0x1074, s20;
	[dreg:$0x6] =	wrdreg s22  }
0x13: {  	s10 =	simm.s32 $0x2;
	s24 =	sadd.s32 $0x15F0, s20;
	[dreg:$0x7] =	wrdreg s23  }
0x14: {  	s19 =	sadd.s32 $0x13320, s12;
	s25 =	sadd.s32 $0x1B6C, s20;
	[dreg:$0x8] =	wrdreg s24  }
0x15: {  	v0 =	vimm.f32 $0.0e+00;
	vm0 =	vcmask $0xF0C;
	s3 =	simm.s32 $0x1;
	s26 =	sadd.s32 $0x20E8, s20;
	[dreg:$0x9] =	wrdreg s25  }
0x16: {  	vm1 =	vcmask $0x3F0C;
	vm2 =	vcmask $0x3F08;
	vm3 =	vcmask $0x3F04;
	s28 =	sadd.s32 $0x2664, s20;
	[dreg:$0xa] =	wrdreg s26;
	s0 =	simm.s32 $0x2DA0  }
.LBB2_1:
0x17: {  	s21 =	simm.s32 $0x0;
	s22 =	simm.s32 $0x240  }
.LBB2_2:
0x18: {  	p1 =	sne.s32 s22, $0xB1C0;
	[tilespmem:s21+$0x120] =	vst v0  }
0x19: {  	[tilespmem:s21+$0xA0] =	vst v0  }
0x1a: {  	[tilespmem:s21+$0xB0] =	vst v0  }
0x1b: {  	[tilespmem:s21+$0xC0] =	vst v0  }
.Ltmp0:
0x1c: {  	[tilespmem:s21+$0xD0] =	vst v0;
	(pc) =	sbr.rel @p1 .LBB2_2-.Ltmp0, $4  }
0x1d: {  	[tilespmem:s21+$0xE0] =	vst v0  }
0x1e: {  	[tilespmem:s21+$0xF0] =	vst v0  }
0x1f: {  	[tilespmem:s21+$0x100] =	vst v0  }
0x20: {  	[tilespmem:s21+$0x110] =	vst v0;
	s21 =	sshra.s32 s22, $0x2;
	s22 =	sadd.s32 $0x240, s22  }
0x21: {  	[tilespmem:s21+$0x120] =	vst v0  }
0x22: {  	[tilespmem:s21+$0xA0] =	vst v0  }
0x23: {  	[tilespmem:s21+$0xB0] =	vst v0  }
0x24: {  	[tilespmem:s21+$0xC0] =	vst v0  }
0x25: {  	[tilespmem:s21+$0xD0] =	vst v0  }
0x26: {  	[tilespmem:s21+$0xE0] =	vst v0  }
0x27: {  	[tilespmem:s21+$0xF0] =	vst v0  }
0x28: {  	[tilespmem:s21+$0x100] =	vst v0  }
0x29: {  	[tilespmem:s21+$0x110] =	vst v0  }
0x2a: {  	[spmem:s12] =	stream.linear.scatter [tilespmem:s29], [sflag:$0x3], $0x2BE0, $0x38;
	[tilespmem:$0x19230] =	vst v63  }
0x2b: {  	_ =	swait.ge [sflag:s30], $0x2BE0  }
0x2c: {  	[sflag:s30] =	ssyncset.done $0x0  }
0x2d: {  	[sflag:s30] =	ssyncadd.s32 $0xFFFFD420  }
0x2e: {  	[spmem:s13] =	stream.linear.scatter [tilespmem:s29], [sflag:$0x3], $0x2BE0, $0x38;
	[tilespmem:$0x19230] =	vst v63  }
0x2f: {  	_ =	swait.ge [sflag:s30], $0x2BE0  }
0x30: {  	[sflag:s30] =	ssyncset.done $0x0  }
0x31: {  	[sflag:s30] =	ssyncadd.s32 $0xFFFFD420  }
0x32: {  	[spmem:s14] =	stream.linear.scatter [tilespmem:s29], [sflag:$0x3], $0x2BE0, $0x38;
	[tilespmem:$0x19230] =	vst v63  }
0x33: {  	_ =	swait.ge [sflag:s30], $0x2BE0  }
0x34: {  	[sflag:s30] =	ssyncset.done $0x0  }
0x35: {  	[sflag:s30] =	ssyncadd.s32 $0xFFFFD420  }
0x36: {  	[spmem:s15] =	stream.linear.scatter [tilespmem:s29], [sflag:$0x3], $0x2BE0, $0x38;
	[tilespmem:$0x19230] =	vst v63  }
0x37: {  	_ =	swait.ge [sflag:s30], $0x2BE0  }
0x38: {  	[sflag:s30] =	ssyncset.done $0x0  }
0x39: {  	[sflag:s30] =	ssyncadd.s32 $0xFFFFD420  }
0x3a: {  	[spmem:s16] =	stream.linear.scatter [tilespmem:s29], [sflag:$0x3], $0x2BE0, $0x38;
	[tilespmem:$0x19230] =	vst v63  }
0x3b: {  	_ =	swait.ge [sflag:s30], $0x2BE0  }
0x3c: {  	[sflag:s30] =	ssyncset.done $0x0  }
0x3d: {  	[sflag:s30] =	ssyncadd.s32 $0xFFFFD420  }
0x3e: {  	[spmem:s17] =	stream.linear.scatter [tilespmem:s29], [sflag:$0x3], $0x2BE0, $0x38;
	[tilespmem:$0x19230] =	vst v63  }
0x3f: {  	_ =	swait.ge [sflag:s30], $0x2BE0  }
0x40: {  	[sflag:s30] =	ssyncset.done $0x0  }
0x41: {  	[sflag:s30] =	ssyncadd.s32 $0xFFFFD420  }
0x42: {  	[spmem:s18] =	stream.linear.scatter [tilespmem:s29], [sflag:$0x3], $0x2BE0, $0x38;
	[tilespmem:$0x19230] =	vst v63  }
0x43: {  	_ =	swait.ge [sflag:s30], $0x2BE0  }
0x44: {  	[sflag:s30] =	ssyncset.done $0x0  }
0x45: {  	[sflag:s30] =	ssyncadd.s32 $0xFFFFD420  }
0x46: {  	[spmem:s19] =	stream.linear.scatter [tilespmem:s29], [sflag:$0x3], $0x2BE0, $0x38;
	[tilespmem:$0x19230] =	vst v63  }
0x47: {  	_ =	swait.ge [sflag:s30], $0x2BE0  }
0x48: {  	[sflag:s30] =	ssyncset.done $0x0  }
0x49: {  	s21 =	simm.s32 @!p0 $0xA0;
	[sflag:s30] =	ssyncadd.s32 $0xFFFFD420  }
0x4a: {  	[spmem:s8] =	stream.linear.scatter @!p0 [tilespmem:s21], [sflag:$0x3], $0x900, $0x38;
	[tilespmem:$0x19230] =	vst v63  }
0x4b: {  	s21 =	simm.s32 @!p0 $0x3  }
0x4c: {  	_ =	swait.ge @!p0 [sflag:s21], $0x900  }
0x4d: {  	[sflag:s21] =	ssyncset.done @!p0 $0x0  }
0x4e: {  	[sflag:s21] =	ssyncadd.s32 @!p0 $0xFFFFF700  }
0x4f: {  	s22 =	simm.s32 $0x0;
	s21 =	simm.s32 $0x0;
	[bflag:$0x0] =	sbarrier.arrive $0xFFFF  }
.LBB2_4:
0x50: {  	s23 =	smul.u32 $0x50, s22;
	_ =	sdelay $0x1  }
0x51: {  	s23 =	sadd.s32 s9, s23  }
0x52: {  	s23 =	sshrl.u32 s23, $0x3  }
0x53: {  	s24 =	sadd.s32 s4, s23  }
0x54: {  	[tilespmem:s21], [sflag:$0x3] =	stream.linear.gather [hbm4b:s24+s21], $0x50, $0x38;
	[tilespmem:$0x19230] =	vst v63  }
0x55: {  	_ =	swait.ge [sflag:s30], $0x50  }
0x56: {  	[sflag:s30] =	ssyncset.done $0x0  }
0x57: {  	s23 =	sadd.s32 s5, s23;
	[sflag:s30] =	ssyncadd.s32 $0xFFFFFFB0  }
0x58: {  	[tilespmem:s31], [sflag:$0x3] =	stream.linear.gather [hbm4b:s23+s21], $0x50, $0x38;
	[tilespmem:$0x19230] =	vst v63  }
0x59: {  	_ =	swait.ge [sflag:s30], $0x50  }
0x5a: {  	[sflag:s30] =	ssyncset.done $0x0  }
0x5b: {  	[sflag:s30] =	ssyncadd.s32 $0xFFFFFFB0  }
0x5c: {  	[tilespmem:s29], [sflag:$0x1] =	stream.indirect.gather [hbm4b:s6+s31], $0x90, s21, s31, $0xb8;
	[tilespmem:$0x19230] =	vst v63  }
0x5d: {  	_ = 	snop  }
0x5e: {  	[tilespmem:s0], [sflag:$0x2] =	stream.indirect.gather [hbm4b:s7+s31], $0x10, s31, s31, $0xb8;
	[tilespmem:$0x19230] =	vst v63  }
0x5f: {  	_ =	swait.ge [sflag:s3], $0x2D00  }
0x60: {  	[sflag:s3] =	ssyncset.done $0x0  }
0x61: {  	[sflag:s3] =	ssyncadd.s32 $0xFFFFD300  }
0x62: {  	_ =	swait.ge [sflag:s10], $0x500  }
0x63: {  	[sflag:s10] =	ssyncset.done $0x0  }
0x64: {  	s23 =	simm.s32 $0xE0;
	[sflag:s10] =	ssyncadd.s32 $0xFFFFFB00  }
0x65: {  	s26 =	simm.s32 $0x0;
	v1 =	vld [tilespmem:s23+$0x40]  }
0x66: {  	v2 =	vld [tilespmem:s26+$0x2DA0];
	_ =	sdelay $0x4  }
0x67: {  	v1 =	vadd.f32 v2, v1;
	_ =	sdelay $0x1  }
0x68: {  	v2 =	vmul.f32 $2.000000030e-01, v1  }
0x69: {  	vm4 =	vgt.f32 v1, $0.0e+00  }
0x6a: {  	v1 =	vsel vm4, v1, v2  }
0x6b: {  	v1 =	vmul.f32 $1.442695020e+00, v1;
	_ =	sdelay $0x1  }
0x6c: {  	(erf) = vpow2.f32 v1;
	_ =	sdelay $0x3  }
0x6d: {  	v5 =	vld [tilespmem:s23+$0xFFFFFFF0]  }
0x6e: {  	v3 =	vld [tilespmem:s23+$0x30]  }
0x6f: {  	v4 =	vld [tilespmem:s23+$0x10]  }
0x70: {  	v6 =	vld [tilespmem:s23+$0xFFFFFFE0]  }
0x71: {  	v2 =	vld [tilespmem:s23+$0x0]  }
0x72: {  	v7 =	vld [tilespmem:s23+$0xFFFFFFC0];
	v8 =	vpop (erf)  }
0x73: {  	v9 =	vld [tilespmem:s23+$0xFFFFFFD0];
	v1 =	vbroadcast v8, $0x7  }
0x74: {  	v10 =	vbroadcast v8, $0x5;
	v11 =	vbroadcast v8, $0x6  }
0x75: {  	v8 =	vbroadcast v8, $0x4;
	v12 =	vmul.f32 v3, v1;
	v13 =	vnsel vm0, $0x0, v1;
	v3 =	vld [tilespmem:s23+$0x20]  }
0x76: {  	v14 =	vmul.f32 v2, v11;
	v4 =	vmul.f32 v4, v11;
	v11 =	vsel vm1, v13, v11  }
0x77: {  	v2 =	vmul.f32 v8, v7;
	v7 =	vmul.f32 v5, v10;
	[tilespmem:s23+$0x30] =	vst v12;
	v11 =	vsel vm2, v11, v10  }
0x78: {  	s25 =	simm.s32 $0xE0;
	s24 =	simm.s32 $0x40;
	v5 =	vmul.f32 v8, v9;
	v6 =	vmul.f32 v10, v6;
	[tilespmem:s23+$0x0] =	vst v14;
	v8 =	vsel vm3, v11, v8  }
.LBB2_5:
0x79: {  	p1 =	sne.s32 s24, $0x13C0  }
0x7a: {  	[tilespmem:s23+$0xFFFFFFF0] =	vst v7;
	v1 =	vmul.f32 v3, v1;
	s25 =	sadd.s32 $0x90, s25;
	s26 =	smov.u32 s24;
	s24 =	sadd.s32 $0x40, s24  }
0x7b: {  	[tilespmem:s23+$0x10] =	vst v4  }
0x7c: {  	[tilespmem:s23+$0x40] =	vst v8  }
0x7d: {  	[tilespmem:s23+$0x20] =	vst v1  }
0x7e: {  	[tilespmem:s23+$0xFFFFFFE0] =	vst v6  }
0x7f: {  	[tilespmem:s23+$0xFFFFFFD0] =	vst v5  }
0x80: {  	s26 =	sshra.s32 s26, $0x2;
	v1 =	vld [tilespmem:s25+$0x40];
	[tilespmem:s23+$0xFFFFFFC0] =	vst v2;
	s23 =	smov.u32 s25  }
0x81: {  	v2 =	vld [tilespmem:s26+$0x2DA0];
	_ =	sdelay $0x4  }
0x82: {  	v1 =	vadd.f32 v2, v1;
	_ =	sdelay $0x1  }
0x83: {  	v2 =	vmul.f32 $2.000000030e-01, v1  }
0x84: {  	vm4 =	vgt.f32 v1, $0.0e+00  }
0x85: {  	v1 =	vsel vm4, v1, v2  }
0x86: {  	v1 =	vmul.f32 $1.442695020e+00, v1;
	_ =	sdelay $0x1  }
0x87: {  	(erf) = vpow2.f32 v1;
	_ =	sdelay $0x3  }
0x88: {  	v5 =	vld [tilespmem:s25+$0xFFFFFFF0]  }
0x89: {  	v2 =	vld [tilespmem:s25+$0x0]  }
0x8a: {  	v4 =	vld [tilespmem:s25+$0x30]  }
0x8b: {  	v6 =	vld [tilespmem:s25+$0x10]  }
0x8c: {  	v8 =	vld [tilespmem:s25+$0xFFFFFFE0]  }
0x8d: {  	v7 =	vld [tilespmem:s25+$0xFFFFFFC0];
	v9 =	vpop (erf)  }
0x8e: {  	v10 =	vld [tilespmem:s25+$0xFFFFFFD0];
	v1 =	vbroadcast v9, $0x7  }
.Ltmp1:
0x8f: {  	v11 =	vbroadcast v9, $0x5;
	v12 =	vbroadcast v9, $0x6;
	v3 =	vld [tilespmem:s25+$0x20];
	(pc) =	sbr.rel @p1 .LBB2_5-.Ltmp1, $4  }
0x90: {  	v9 =	vbroadcast v9, $0x4;
	v13 =	vmul.f32 v4, v1;
	v14 =	vnsel vm0, $0x0, v1  }
0x91: {  	v15 =	vmul.f32 v2, v12;
	v4 =	vmul.f32 v6, v12;
	v6 =	vsel vm1, v14, v12  }
0x92: {  	v2 =	vmul.f32 v9, v7;
	v7 =	vmul.f32 v5, v11;
	[tilespmem:s25+$0x30] =	vst v13;
	v12 =	vsel vm2, v6, v11  }
0x93: {  	v6 =	vmul.f32 v11, v8;
	v5 =	vmul.f32 v9, v10;
	[tilespmem:s25+$0x0] =	vst v15;
	v8 =	vsel vm3, v12, v9  }
0x94: {  	[tilespmem:s23+$0xFFFFFFF0] =	vst v7  }
0x95: {  	[tilespmem:s23+$0x10] =	vst v4  }
0x96: {  	[tilespmem:s23+$0x40] =	vst v8  }
0x97: {  	[tilespmem:s23+$0xFFFFFFC0] =	vst v2  }
0x98: {  	v1 =	vmul.f32 v3, v1;
	s22 =	sadd.s32 $0x1, s22;
	[tilespmem:s23+$0xFFFFFFE0] =	vst v6  }
0x99: {  	[tilespmem:s23+$0xFFFFFFD0] =	vst v5;
	p1 =	sne.s32 s22, $0x7D  }
.Ltmp2:
0x9a: {  	[tilespmem:s23+$0x20] =	vst v1;
	(pc) =	sbr.rel @p1 .LBB2_4-.Ltmp2, $4  }
0x9b: {  	[spmem:s1] =	stream.indirect.scatter.add.f32 [tilespmem:s29], [sflag:$0x3], $0x90, s31, s31, $0xb8;
	[tilespmem:$0x19230] =	vst v63  }
0x9c: {  	_ =	swait.ge [sflag:s30], $0x2D00  }
0x9d: {  	[sflag:s30] =	ssyncset.done $0x0  }
0x9e: {  	[sflag:s30] =	ssyncadd.s32 $0xFFFFD300  }
0x9f: {  	[bflag:$0x0] =	sbarrier.arrive $0xFFFF  }
0xa0: {  	[tilespmem:s29], [sflag:$0x3] =	stream.linear.gather [spmem:s12], $0x2BE0, $0x38;
	[tilespmem:$0x19230] =	vst v63  }
0xa1: {  	_ =	swait.ge [sflag:s30], $0x2BE0  }
0xa2: {  	[sflag:s30] =	ssyncset.done $0x0  }
0xa3: {  	[sflag:s30] =	ssyncadd.s32 $0xFFFFD420  }
0xa4: {  	[hbm4b:s20+s2] =	stream.linear.scatter [tilespmem:s29], [sflag:$0x3], $0x2BE0, $0x38;
	[tilespmem:$0x19230] =	vst v63  }
0xa5: {  	_ =	swait.ge [sflag:s30], $0x2BE0  }
0xa6: {  	[sflag:s30] =	ssyncset.done $0x0  }
0xa7: {  	[sflag:s30] =	ssyncadd.s32 $0xFFFFD420  }
0xa8: {  	[tilespmem:s29], [sflag:$0x3] =	stream.linear.gather [spmem:s13], $0x2BE0, $0x38;
	[tilespmem:$0x19230] =	vst v63  }
0xa9: {  	_ =	swait.ge [sflag:s30], $0x2BE0  }
0xaa: {  	[sflag:s30] =	ssyncset.done $0x0  }
0xab: {  	s21 =	rddreg [dreg:$0x5];
	[sflag:s30] =	ssyncadd.s32 $0xFFFFD420  }
0xac: {  	[hbm4b:s21+s2] =	stream.linear.scatter [tilespmem:s29], [sflag:$0x3], $0x2BE0, $0x38;
	[tilespmem:$0x19230] =	vst v63  }
0xad: {  	_ =	swait.ge [sflag:s30], $0x2BE0  }
0xae: {  	[sflag:s30] =	ssyncset.done $0x0  }
0xaf: {  	[sflag:s30] =	ssyncadd.s32 $0xFFFFD420  }
0xb0: {  	[tilespmem:s29], [sflag:$0x3] =	stream.linear.gather [spmem:s14], $0x2BE0, $0x38;
	[tilespmem:$0x19230] =	vst v63  }
0xb1: {  	_ =	swait.ge [sflag:s30], $0x2BE0  }
0xb2: {  	[sflag:s30] =	ssyncset.done $0x0  }
0xb3: {  	s26 =	rddreg [dreg:$0x6];
	[sflag:s30] =	ssyncadd.s32 $0xFFFFD420  }
0xb4: {  	[hbm4b:s26+s2] =	stream.linear.scatter [tilespmem:s29], [sflag:$0x3], $0x2BE0, $0x38;
	[tilespmem:$0x19230] =	vst v63  }
0xb5: {  	_ =	swait.ge [sflag:s30], $0x2BE0  }
0xb6: {  	[sflag:s30] =	ssyncset.done $0x0  }
0xb7: {  	[sflag:s30] =	ssyncadd.s32 $0xFFFFD420  }
0xb8: {  	[tilespmem:s29], [sflag:$0x3] =	stream.linear.gather [spmem:s15], $0x2BE0, $0x38;
	[tilespmem:$0x19230] =	vst v63  }
0xb9: {  	_ =	swait.ge [sflag:s30], $0x2BE0  }
0xba: {  	[sflag:s30] =	ssyncset.done $0x0  }
0xbb: {  	s22 =	rddreg [dreg:$0x7];
	[sflag:s30] =	ssyncadd.s32 $0xFFFFD420  }
0xbc: {  	[hbm4b:s22+s2] =	stream.linear.scatter [tilespmem:s29], [sflag:$0x3], $0x2BE0, $0x38;
	[tilespmem:$0x19230] =	vst v63  }
0xbd: {  	_ =	swait.ge [sflag:s30], $0x2BE0  }
0xbe: {  	[sflag:s30] =	ssyncset.done $0x0  }
0xbf: {  	[sflag:s30] =	ssyncadd.s32 $0xFFFFD420  }
0xc0: {  	[tilespmem:s29], [sflag:$0x3] =	stream.linear.gather [spmem:s16], $0x2BE0, $0x38;
	[tilespmem:$0x19230] =	vst v63  }
0xc1: {  	_ =	swait.ge [sflag:s30], $0x2BE0  }
0xc2: {  	[sflag:s30] =	ssyncset.done $0x0  }
0xc3: {  	s23 =	rddreg [dreg:$0x8];
	[sflag:s30] =	ssyncadd.s32 $0xFFFFD420  }
0xc4: {  	[hbm4b:s23+s2] =	stream.linear.scatter [tilespmem:s29], [sflag:$0x3], $0x2BE0, $0x38;
	[tilespmem:$0x19230] =	vst v63  }
0xc5: {  	_ =	swait.ge [sflag:s30], $0x2BE0  }
0xc6: {  	[sflag:s30] =	ssyncset.done $0x0  }
0xc7: {  	[sflag:s30] =	ssyncadd.s32 $0xFFFFD420  }
0xc8: {  	[tilespmem:s29], [sflag:$0x3] =	stream.linear.gather [spmem:s17], $0x2BE0, $0x38;
	[tilespmem:$0x19230] =	vst v63  }
0xc9: {  	_ =	swait.ge [sflag:s30], $0x2BE0  }
0xca: {  	[sflag:s30] =	ssyncset.done $0x0  }
0xcb: {  	s24 =	rddreg [dreg:$0x9];
	[sflag:s30] =	ssyncadd.s32 $0xFFFFD420  }
0xcc: {  	[hbm4b:s24+s2] =	stream.linear.scatter [tilespmem:s29], [sflag:$0x3], $0x2BE0, $0x38;
	[tilespmem:$0x19230] =	vst v63  }
0xcd: {  	_ =	swait.ge [sflag:s30], $0x2BE0  }
0xce: {  	[sflag:s30] =	ssyncset.done $0x0  }
0xcf: {  	[sflag:s30] =	ssyncadd.s32 $0xFFFFD420  }
0xd0: {  	[tilespmem:s29], [sflag:$0x3] =	stream.linear.gather [spmem:s18], $0x2BE0, $0x38;
	[tilespmem:$0x19230] =	vst v63  }
0xd1: {  	_ =	swait.ge [sflag:s30], $0x2BE0  }
0xd2: {  	[sflag:s30] =	ssyncset.done $0x0  }
0xd3: {  	s25 =	rddreg [dreg:$0xa];
	[sflag:s30] =	ssyncadd.s32 $0xFFFFD420  }
0xd4: {  	[hbm4b:s25+s2] =	stream.linear.scatter [tilespmem:s29], [sflag:$0x3], $0x2BE0, $0x38;
	[tilespmem:$0x19230] =	vst v63  }
0xd5: {  	_ =	swait.ge [sflag:s30], $0x2BE0  }
0xd6: {  	[sflag:s30] =	ssyncset.done $0x0  }
0xd7: {  	[sflag:s30] =	ssyncadd.s32 $0xFFFFD420  }
0xd8: {  	[tilespmem:s29], [sflag:$0x3] =	stream.linear.gather [spmem:s19], $0x2BE0, $0x38;
	[tilespmem:$0x19230] =	vst v63  }
0xd9: {  	_ =	swait.ge [sflag:s30], $0x2BE0  }
0xda: {  	[sflag:s30] =	ssyncset.done $0x0  }
0xdb: {  	[sflag:s30] =	ssyncadd.s32 $0xFFFFD420  }
0xdc: {  	[hbm4b:s28+s2] =	stream.linear.scatter [tilespmem:s29], [sflag:$0x3], $0x2BE0, $0x38;
	[tilespmem:$0x19230] =	vst v63  }
0xdd: {  	_ =	swait.ge [sflag:s30], $0x2BE0  }
0xde: {  	[sflag:s30] =	ssyncset.done $0x0  }
0xdf: {  	s21 =	simm.s32 @!p0 $0xA0;
	s22 =	simm.s32 @!p0 $0x3;
	[sflag:s30] =	ssyncadd.s32 $0xFFFFD420  }
0xe0: {  	[tilespmem:s21], [sflag:$0x3] =	stream.linear.gather @!p0 [spmem:s8], $0x900, $0x38;
	[tilespmem:$0x19230] =	vst v63  }
0xe1: {  	_ =	swait.ge @!p0 [sflag:s22], $0x900  }
0xe2: {  	[sflag:s22] =	ssyncset.done @!p0 $0x0  }
0xe3: {  	s23 =	simm.s32 @!p0 $0x0;
	s24 =	rddreg [dreg:$0x3];
	[sflag:s22] =	ssyncadd.s32 @!p0 $0xFFFFF700  }
0xe4: {  	[hbm4b:s24+s23] =	stream.linear.scatter @!p0 [tilespmem:s21], [sflag:$0x3], $0x900, $0x38;
	[tilespmem:$0x19230] =	vst v63  }
0xe5: {  	_ =	swait.ge @!p0 [sflag:s22], $0x900  }
0xe6: {  	s11 =	sadd.s32 $0x1, s11;
	s26 =	rddreg [dreg:$0x4]  }
0xe7: {  	p1 =	sne.s32 s11, s26  }
.Ltmp3:
0xe8: {  	_ = 	snop;
	(pc) =	sbr.rel @p1 .LBB2_1-.Ltmp3, $3  }
0xe9: {  	_ =	sdelay $0x1  }
0xea: {  	[sflag:s22] =	ssyncset.done @!p0 $0x0  }
0xeb: {  	[sflag:s22] =	ssyncadd.s32 @!p0 $0xFFFFF700  }
0xec: {  	_ =	sfence.sel $0x180000  }
0xed: {  	[bflag:$0x0] =	sbarrier.arrive $0xFFFF  }
0xee: {  	_ =	strace $0x90000047  }
0xef: {  	s0 =	stileid.u32;
	[bflag:$0x2] =	sbarrier.arrive $0xFFFF  }
0xf0: {  	p0 =	sne.s32 s0, $0x0;
	s0 =	rddreg [dreg:$0x2]  }
0xf1: {  	s0 =	sadd.s32 @!p0 $0x100000, s0  }
0xf2: {  	[sflag:s0] =	ssyncadd.tile.s32 @!p0 $0x1;
	_ =	shalt  }
.Lfunc_end2:
_tile_overlayer_lowered:
.L_overlay_start_2:
0xf3: {  	(tag) =	ssettag $0x2  }
0xf4: {  	s0 =	rddreg [dreg:$0x0];
	s2 =	stileid.u32  }
0xf5: {  	s1 =	rddreg [dreg:$0x1];
	p0 =	sne.s32 s2, $0x0  }
0xf6: {  	s3 =	rddreg [dreg:$0x2];
	[bflag:$0x3] =	sbarrier.arrive $0xFFFF;
	s2 =	simm.s32 @!p0 $0x1C03  }
0xf7: {  	[timem:s3], [sflag:s2] =	dma.local @!p0 [hbm:s0], s1  }
0xf8: {  	s0 =	simm.s32 @!p0 $0x3  }
0xf9: {  	_ =	swait.ge @!p0 [sflag:s0], s1  }
0xfa: {  	s1 =	ssub.s32 @!p0 $0x0, s1;
	[sflag:s0] =	ssyncset.done @!p0 $0x0  }
0xfb: {  	[sflag:s0] =	ssyncadd.s32 @!p0 s1  }
0xfc: {  	[bflag:$0x3] =	sbarrier.arrive $0xFFFF  }
0xfd: {  	_ =	shalt  }

</sc_bundles>
